<compile_context>
chip_gen: v7x
topology: tpu7x:2x2x1
jax: 0.10.2.dev20260603
libtpu: 0.0.44.dev20260713+nightly
codegen_flags: <defaults>
</compile_context>

<pallas_src>
import functools

import jax
import jax.numpy as jnp
from jax import lax
from jax.experimental import pallas as pl
from jax.experimental.pallas import tpu as pltpu
from jax.experimental.pallas import tpu_sc as plsc

B = 16384
EMB = 128
NC = 2
NS = 16
NW = NC * NS
CHUNK = 128

SLICES = (16384,)


def _make_sc_gather(bs):
    b_per_w = bs // NW
    n_chunks = b_per_w // CHUNK
    n_total = 2 * n_chunks
    nbuf = min(n_total, 7)

    def body(user_table, item_table, users, items, u_out, i_out,
             idx_u, idx_i, bufs, sem_g, sem_s, sem_i):
        c = lax.axis_index("c")
        s = lax.axis_index("s")
        wid = s * NC + c
        base = wid * b_per_w

        cp_u = pltpu.async_copy(users.at[pl.ds(base, b_per_w)], idx_u,
                                sem_i.at[0])
        cp_i = pltpu.async_copy(items.at[pl.ds(base, b_per_w)], idx_i,
                                sem_i.at[1])
        cp_u.wait()
        cp_i.wait()

        chunks = [(user_table, idx_u, ch, u_out) for ch in range(n_chunks)] + \
                 [(item_table, idx_i, ch, i_out) for ch in range(n_chunks)]

        def fire_gather(cn, slot):
            table, idx, ch, _ = chunks[cn]
            return pltpu.async_copy(
                table.at[idx.at[pl.ds(ch * CHUNK, CHUNK)]],
                bufs.at[slot], sem_g.at[slot])

        gathers = [fire_gather(cn, cn % nbuf) for cn in range(min(nbuf, n_total))]
        gathers += [None] * (n_total - len(gathers))
        stores = [None] * n_total

        for cn in range(n_total):
            slot = cn % nbuf
            _, _, ch, out_hbm = chunks[cn]
            off = base + ch * CHUNK
            gathers[cn].wait()
            stores[cn] = pltpu.async_copy(
                bufs.at[slot], out_hbm.at[pl.ds(off, CHUNK)], sem_s.at[slot])
            nxt = cn + nbuf
            if nxt < n_total:
                stores[cn].wait()
                stores[cn] = None
                gathers[nxt] = fire_gather(nxt, slot)

        for cn in range(n_total):
            if stores[cn] is not None:
                stores[cn].wait()

    return pl.kernel(
        body,
        out_type=(
            jax.ShapeDtypeStruct((bs, EMB), jnp.float32),
            jax.ShapeDtypeStruct((bs, EMB), jnp.float32),
        ),
        mesh=plsc.VectorSubcoreMesh(core_axis_name="c", subcore_axis_name="s"),
        scratch_types=[
            pltpu.VMEM((b_per_w,), jnp.int32),
            pltpu.VMEM((b_per_w,), jnp.int32),
            pltpu.VMEM((nbuf, CHUNK, EMB), jnp.float32),
            pltpu.SemaphoreType.DMA((nbuf,)),
            pltpu.SemaphoreType.DMA((nbuf,)),
            pltpu.SemaphoreType.DMA((2,)),
        ],
    )


def _mlp_body(u_ref, i_ref, w1a_ref, w1b_ref, b1_ref, w2_ref, b2_ref, o_ref):
    u = u_ref[...].astype(jnp.bfloat16)
    it = i_ref[...].astype(jnp.bfloat16)
    dn = (((1,), (1,)), ((), ()))
    h = lax.dot_general(w1a_ref[...], u, dn, preferred_element_type=jnp.float32)
    h += lax.dot_general(w1b_ref[...], it, dn, preferred_element_type=jnp.float32)
    h = jnp.maximum(h + b1_ref[...], 0.0)
    s = lax.dot_general(w2_ref[...], h, (((1,), (0,)), ((), ())),
                        preferred_element_type=jnp.float32)
    o_ref[...] = s + b2_ref[0, 0]


def _mlp(u_emb, i_emb, w1a, w1b, b1, w2, b2):
    bs = u_emb.shape[0]
    bm = min(bs, 8192)
    grid = (bs // bm,)
    return pl.pallas_call(
        _mlp_body,
        grid=grid,
        in_specs=[
            pl.BlockSpec((bm, EMB), lambda i: (i, 0)),
            pl.BlockSpec((bm, EMB), lambda i: (i, 0)),
            pl.BlockSpec((EMB, EMB), lambda i: (0, 0)),
            pl.BlockSpec((EMB, EMB), lambda i: (0, 0)),
            pl.BlockSpec((EMB, 1), lambda i: (0, 0)),
            pl.BlockSpec((1, EMB), lambda i: (0, 0)),
            pl.BlockSpec((1, 1), lambda i: (0, 0)),
        ],
        out_specs=pl.BlockSpec((1, bm), lambda i: (0, i)),
        out_shape=jax.ShapeDtypeStruct((1, bs), jnp.float32),
    )(u_emb, i_emb, w1a, w1b, b1, w2, b2)


_sc_gathers = [_make_sc_gather(bs) for bs in SLICES]


def kernel(users, items, user_table, item_table, W1, b1, W2, b2):
    w1a = W1[:, :EMB].astype(jnp.bfloat16)
    w1b = W1[:, EMB:].astype(jnp.bfloat16)
    b1r = b1.reshape(EMB, 1)
    w2r = W2.reshape(1, EMB)
    b2r = b2.reshape(1, 1)

    gathered = []
    off = 0
    for g, bs in zip(_sc_gathers, SLICES):
        gathered.append(g(user_table, item_table,
                          lax.slice(users, (off,), (off + bs,)),
                          lax.slice(items, (off,), (off + bs,))))
        off += bs
    scores = [_mlp(u, i, w1a, w1b, b1r, w2r, b2r) for u, i in gathered]
    return jnp.concatenate(scores, axis=1).reshape(B)

# --- scband reference (transcript-rebuilt; emitter-appended) ---
"""Pipeline reference for scband-mig-dpg-no-dpo-8057358647620 (READ-ONLY COPY).

The authoritative reference and input builder live on the scoring server;
editing this copy changes nothing except your own understanding.
"""

import jax, jax.numpy as jnp
import numpy as np

NUM_USERS = 100000
NUM_ITEMS = 100000
EMB = 128
BATCH = 16384

def setup_inputs(seed: int = 0) -> dict:
    key = jax.random.key(seed)
    ks = jax.random.split(key, 8)
    users = jax.random.randint(ks[0], (BATCH,), 0, NUM_USERS, dtype=jnp.int64 if jax.config.jax_enable_x64 else jnp.int32).astype(jnp.int32)
    items = jax.random.randint(ks[1], (BATCH,), 0, NUM_ITEMS, dtype=jnp.int32)
    user_table = jax.random.normal(ks[2], (NUM_USERS, EMB), dtype=jnp.float32)
    item_table = jax.random.normal(ks[3], (NUM_ITEMS, EMB), dtype=jnp.float32)
    # nn.Linear(256, 128): weight [128, 256], bias [128]
    lim1 = 1.0 / np.sqrt(2 * EMB)
    W1 = jax.random.uniform(ks[4], (EMB, 2 * EMB), minval=-lim1, maxval=lim1, dtype=jnp.float32)
    b1 = jax.random.uniform(ks[5], (EMB,), minval=-lim1, maxval=lim1, dtype=jnp.float32)
    # nn.Linear(128, 1): weight [1, 128], bias [1]
    lim2 = 1.0 / np.sqrt(EMB)
    W2 = jax.random.uniform(ks[6], (1, EMB), minval=-lim2, maxval=lim2, dtype=jnp.float32)
    b2 = jax.random.uniform(ks[7], (1,), minval=-lim2, maxval=lim2, dtype=jnp.float32)
    return {"users": users, "items": items, "user_table": user_table, "item_table": item_table, "W1": W1, "b1": b1, "W2": W2, "b2": b2}

def reference(users, items, user_table, item_table, W1, b1, W2, b2):
    user_emb = jnp.take(user_table, users, axis=0)          # [B, EMB] embedding gather
    item_emb = jnp.take(item_table, items, axis=0)          # [B, EMB] embedding gather
    concat_emb = jnp.concatenate([user_emb, item_emb], axis=-1)  # [B, 2*EMB]
    h = concat_emb @ W1.T + b1                               # Linear(2*EMB -> EMB)
    h = jnp.maximum(h, 0.0)                                  # ReLU (Dropout is identity in eval)
    scores = h @ W2.T + b2                                   # Linear(EMB -> 1)
    return jnp.squeeze(scores, axis=-1)                      # [B]

if __name__ == "__main__":
    import jax
    _d = setup_inputs()
    print(jax.jit(kernel)(*tuple(_d.values())))

</pallas_src>

<mosaic_0001>
#map = affine_map<(d0, d1) -> (0, 0)>
#map1 = affine_map<(d0, d1) -> (0)>
module attributes {stable_mosaic.version = 14 : i64} {
  func.func @body(%arg0: i32, %arg1: i32, %arg2: memref<100000x128xf32, #tpu.memory_space<hbm>>, %arg3: memref<100000x128xf32, #tpu.memory_space<hbm>>, %arg4: memref<16384xi32, #tpu.memory_space<hbm>>, %arg5: memref<16384xi32, #tpu.memory_space<hbm>>, %arg6: memref<16384x128xf32, #tpu.memory_space<hbm>>, %arg7: memref<16384x128xf32, #tpu.memory_space<hbm>>, %arg8: memref<512xi32, #tpu.memory_space<vmem>>, %arg9: memref<512xi32, #tpu.memory_space<vmem>>, %arg10: memref<7x128x128xf32, #tpu.memory_space<vmem>>, %arg11: memref<7x!tpu.dma_semaphore, #tpu.memory_space<semaphore_mem>>, %arg12: memref<7x!tpu.dma_semaphore, #tpu.memory_space<semaphore_mem>>, %arg13: memref<2x!tpu.dma_semaphore, #tpu.memory_space<semaphore_mem>>) attributes {dimension_semantics = [#tpu.dimension_semantics<core_parallel>, #tpu.dimension_semantics<subcore_parallel>], iteration_bounds = array<i64: 2, 16>, scalar_prefetch = 0 : i64, scratch_operands = 6 : i64, tpu.core_type = #tpu.core_type<sc_vector_subcore>, window_params = [{transform_indices = #map}, {transform_indices = #map}, {transform_indices = #map1}, {transform_indices = #map1}, {transform_indices = #map}, {transform_indices = #map}]} {
    %mul3A = arith.constant 2 : i32
    %mul3A_0 = arith.muli %arg1, %mul3A : i32
    %add3A = arith.addi %mul3A_0, %arg0 : i32
    %mul3A_1 = arith.constant 512 : i32
    %mul3A_2 = arith.muli %add3A, %mul3A_1 : i32
    %dma_start3A = arith.constant 0 : i32
    %dma_start3A_3 = tpu.memref_slice %arg4[%mul3A_2] : memref<16384xi32, #tpu.memory_space<hbm>> -> memref<512xi32, #tpu.memory_space<hbm>>
    %dma_start3A_4 = tpu.memref_slice %arg13[%dma_start3A] : memref<2x!tpu.dma_semaphore, #tpu.memory_space<semaphore_mem>> -> memref<1x!tpu.dma_semaphore, #tpu.memory_space<semaphore_mem>>
    %dma_start3A_5 = tpu.memref_squeeze %dma_start3A_4 : memref<1x!tpu.dma_semaphore, #tpu.memory_space<semaphore_mem>> -> memref<!tpu.dma_semaphore, #tpu.memory_space<semaphore_mem>>
    %dma_start3A_6 = tpu.memref_slice %arg4[%mul3A_2] : memref<16384xi32, #tpu.memory_space<hbm>> -> memref<512xi32, #tpu.memory_space<hbm>>
    tpu.enqueue_dma source(%dma_start3A_6 : memref<512xi32, #tpu.memory_space<hbm>>) target(%arg8 : memref<512xi32, #tpu.memory_space<vmem>>) target_semaphore(%dma_start3A_5 : memref<!tpu.dma_semaphore, #tpu.memory_space<semaphore_mem>>)
    %dma_start3A_7 = arith.constant 1 : i32
    %dma_start3A_8 = tpu.memref_slice %arg5[%mul3A_2] : memref<16384xi32, #tpu.memory_space<hbm>> -> memref<512xi32, #tpu.memory_space<hbm>>
    %dma_start3A_9 = tpu.memref_slice %arg13[%dma_start3A_7] : memref<2x!tpu.dma_semaphore, #tpu.memory_space<semaphore_mem>> -> memref<1x!tpu.dma_semaphore, #tpu.memory_space<semaphore_mem>>
    %dma_start3A_10 = tpu.memref_squeeze %dma_start3A_9 : memref<1x!tpu.dma_semaphore, #tpu.memory_space<semaphore_mem>> -> memref<!tpu.dma_semaphore, #tpu.memory_space<semaphore_mem>>
    %dma_start3A_11 = tpu.memref_slice %arg5[%mul3A_2] : memref<16384xi32, #tpu.memory_space<hbm>> -> memref<512xi32, #tpu.memory_space<hbm>>
    tpu.enqueue_dma source(%dma_start3A_11 : memref<512xi32, #tpu.memory_space<hbm>>) target(%arg9 : memref<512xi32, #tpu.memory_space<vmem>>) target_semaphore(%dma_start3A_10 : memref<!tpu.dma_semaphore, #tpu.memory_space<semaphore_mem>>)
    %dma_wait3A = arith.constant 0 : i32
    %dma_wait3A_12 = tpu.memref_slice %arg4[%mul3A_2] : memref<16384xi32, #tpu.memory_space<hbm>> -> memref<512xi32, #tpu.memory_space<hbm>>
    %dma_wait3A_13 = tpu.memref_slice %arg13[%dma_wait3A] : memref<2x!tpu.dma_semaphore, #tpu.memory_space<semaphore_mem>> -> memref<1x!tpu.dma_semaphore, #tpu.memory_space<semaphore_mem>>
    %dma_wait3A_14 = tpu.memref_squeeze %dma_wait3A_13 : memref<1x!tpu.dma_semaphore, #tpu.memory_space<semaphore_mem>> -> memref<!tpu.dma_semaphore, #tpu.memory_space<semaphore_mem>>
    %dma_wait3A_15 = tpu.memref_slice %arg4[%mul3A_2] : memref<16384xi32, #tpu.memory_space<hbm>> -> memref<512xi32, #tpu.memory_space<hbm>>
    tpu.wait_dma2 semaphore(%dma_wait3A_14 : memref<!tpu.dma_semaphore, #tpu.memory_space<semaphore_mem>>) src(%dma_wait3A_15 : memref<512xi32, #tpu.memory_space<hbm>>) dst(%arg8 : memref<512xi32, #tpu.memory_space<vmem>>)
    %dma_wait3A_16 = arith.constant 1 : i32
    %dma_wait3A_17 = tpu.memref_slice %arg5[%mul3A_2] : memref<16384xi32, #tpu.memory_space<hbm>> -> memref<512xi32, #tpu.memory_space<hbm>>
    %dma_wait3A_18 = tpu.memref_slice %arg13[%dma_wait3A_16] : memref<2x!tpu.dma_semaphore, #tpu.memory_space<semaphore_mem>> -> memref<1x!tpu.dma_semaphore, #tpu.memory_space<semaphore_mem>>
    %dma_wait3A_19 = tpu.memref_squeeze %dma_wait3A_18 : memref<1x!tpu.dma_semaphore, #tpu.memory_space<semaphore_mem>> -> memref<!tpu.dma_semaphore, #tpu.memory_space<semaphore_mem>>
    %dma_wait3A_20 = tpu.memref_slice %arg5[%mul3A_2] : memref<16384xi32, #tpu.memory_space<hbm>> -> memref<512xi32, #tpu.memory_space<hbm>>
    tpu.wait_dma2 semaphore(%dma_wait3A_19 : memref<!tpu.dma_semaphore, #tpu.memory_space<semaphore_mem>>) src(%dma_wait3A_20 : memref<512xi32, #tpu.memory_space<hbm>>) dst(%arg9 : memref<512xi32, #tpu.memory_space<vmem>>)
    %dma_start3A_21 = arith.constant 0 : i32
    %dma_start3A_22 = arith.constant 0 : i32
    %dma_start3A_23 = arith.constant 0 : i32
    %dma_start3A_24 = arith.constant 0 : i32
    %dma_start3A_25 = tpu.memref_slice %arg10[%dma_start3A_21, %dma_start3A_23, %dma_start3A_24] : memref<7x128x128xf32, #tpu.memory_space<vmem>> -> memref<1x128x128xf32, #tpu.memory_space<vmem>>
    %dma_start3A_26 = tpu.memref_squeeze %dma_start3A_25 : memref<1x128x128xf32, #tpu.memory_space<vmem>> -> memref<128x128xf32, #tpu.memory_space<vmem>>
    %dma_start3A_27 = arith.constant 0 : i32
    %dma_start3A_28 = tpu.memref_slice %arg8[%dma_start3A_27] : memref<512xi32, #tpu.memory_space<vmem>> -> memref<128xi32, #tpu.memory_space<vmem>>
    %dma_start3A_29 = arith.constant 0 : i32
    %dma_start3A_30 = arith.constant 0 : i32
    %dma_start3A_31 = tpu.memref_slice %arg2[%dma_start3A_29, %dma_start3A_30] : memref<100000x128xf32, #tpu.memory_space<hbm>> -> memref<100000x128xf32, #tpu.memory_space<hbm>>
    %dma_start3A_32 = tpu.memref_slice %arg11[%dma_start3A_22] : memref<7x!tpu.dma_semaphore, #tpu.memory_space<semaphore_mem>> -> memref<1x!tpu.dma_semaphore, #tpu.memory_space<semaphore_mem>>
    %dma_start3A_33 = tpu.memref_squeeze %dma_start3A_32 : memref<1x!tpu.dma_semaphore, #tpu.memory_space<semaphore_mem>> -> memref<!tpu.dma_semaphore, #tpu.memory_space<semaphore_mem>>
    tpu.enqueue_indirect_dma source(%dma_start3A_31 : memref<100000x128xf32, #tpu.memory_space<hbm>>) target(%dma_start3A_26 : memref<128x128xf32, #tpu.memory_space<vmem>>) offsets(%dma_start3A_28 : memref<128xi32, #tpu.memory_space<vmem>>) semaphore(%dma_start3A_33 : memref<!tpu.dma_semaphore, #tpu.memory_space<semaphore_mem>>)
    %dma_start3A_34 = arith.constant 1 : i32
    %dma_start3A_35 = arith.constant 1 : i32
    %dma_start3A_36 = arith.constant 0 : i32
    %dma_start3A_37 = arith.constant 0 : i32
    %dma_start3A_38 = tpu.memref_slice %arg10[%dma_start3A_34, %dma_start3A_36, %dma_start3A_37] : memref<7x128x128xf32, #tpu.memory_space<vmem>> -> memref<1x128x128xf32, #tpu.memory_space<vmem>>
    %dma_start3A_39 = tpu.memref_squeeze %dma_start3A_38 : memref<1x128x128xf32, #tpu.memory_space<vmem>> -> memref<128x128xf32, #tpu.memory_space<vmem>>
    %dma_start3A_40 = arith.constant 128 : i32
    %dma_start3A_41 = tpu.memref_slice %arg8[%dma_start3A_40] : memref<512xi32, #tpu.memory_space<vmem>> -> memref<128xi32, #tpu.memory_space<vmem>>
    %dma_start3A_42 = arith.constant 0 : i32
    %dma_start3A_43 = arith.constant 0 : i32
    %dma_start3A_44 = tpu.memref_slice %arg2[%dma_start3A_42, %dma_start3A_43] : memref<100000x128xf32, #tpu.memory_space<hbm>> -> memref<100000x128xf32, #tpu.memory_space<hbm>>
    %dma_start3A_45 = tpu.memref_slice %arg11[%dma_start3A_35] : memref<7x!tpu.dma_semaphore, #tpu.memory_space<semaphore_mem>> -> memref<1x!tpu.dma_semaphore, #tpu.memory_space<semaphore_mem>>
    %dma_start3A_46 = tpu.memref_squeeze %dma_start3A_45 : memref<1x!tpu.dma_semaphore, #tpu.memory_space<semaphore_mem>> -> memref<!tpu.dma_semaphore, #tpu.memory_space<semaphore_mem>>
    tpu.enqueue_indirect_dma source(%dma_start3A_44 : memref<100000x128xf32, #tpu.memory_space<hbm>>) target(%dma_start3A_39 : memref<128x128xf32, #tpu.memory_space<vmem>>) offsets(%dma_start3A_41 : memref<128xi32, #tpu.memory_space<vmem>>) semaphore(%dma_start3A_46 : memref<!tpu.dma_semaphore, #tpu.memory_space<semaphore_mem>>)
    %dma_start3A_47 = arith.constant 2 : i32
    %dma_start3A_48 = arith.constant 2 : i32
    %dma_start3A_49 = arith.constant 0 : i32
    %dma_start3A_50 = arith.constant 0 : i32
    %dma_start3A_51 = tpu.memref_slice %arg10[%dma_start3A_47, %dma_start3A_49, %dma_start3A_50] : memref<7x128x128xf32, #tpu.memory_space<vmem>> -> memref<1x128x128xf32, #tpu.memory_space<vmem>>
    %dma_start3A_52 = tpu.memref_squeeze %dma_start3A_51 : memref<1x128x128xf32, #tpu.memory_space<vmem>> -> memref<128x128xf32, #tpu.memory_space<vmem>>
    %dma_start3A_53 = arith.constant 256 : i32
    %dma_start3A_54 = tpu.memref_slice %arg8[%dma_start3A_53] : memref<512xi32, #tpu.memory_space<vmem>> -> memref<128xi32, #tpu.memory_space<vmem>>
    %dma_start3A_55 = arith.constant 0 : i32
    %dma_start3A_56 = arith.constant 0 : i32
    %dma_start3A_57 = tpu.memref_slice %arg2[%dma_start3A_55, %dma_start3A_56] : memref<100000x128xf32, #tpu.memory_space<hbm>> -> memref<100000x128xf32, #tpu.memory_space<hbm>>
    %dma_start3A_58 = tpu.memref_slice %arg11[%dma_start3A_48] : memref<7x!tpu.dma_semaphore, #tpu.memory_space<semaphore_mem>> -> memref<1x!tpu.dma_semaphore, #tpu.memory_space<semaphore_mem>>
    %dma_start3A_59 = tpu.memref_squeeze %dma_start3A_58 : memref<1x!tpu.dma_semaphore, #tpu.memory_space<semaphore_mem>> -> memref<!tpu.dma_semaphore, #tpu.memory_space<semaphore_mem>>
    tpu.enqueue_indirect_dma source(%dma_start3A_57 : memref<100000x128xf32, #tpu.memory_space<hbm>>) target(%dma_start3A_52 : memref<128x128xf32, #tpu.memory_space<vmem>>) offsets(%dma_start3A_54 : memref<128xi32, #tpu.memory_space<vmem>>) semaphore(%dma_start3A_59 : memref<!tpu.dma_semaphore, #tpu.memory_space<semaphore_mem>>)
    %dma_start3A_60 = arith.constant 3 : i32
    %dma_start3A_61 = arith.constant 3 : i32
    %dma_start3A_62 = arith.constant 0 : i32
    %dma_start3A_63 = arith.constant 0 : i32
    %dma_start3A_64 = tpu.memref_slice %arg10[%dma_start3A_60, %dma_start3A_62, %dma_start3A_63] : memref<7x128x128xf32, #tpu.memory_space<vmem>> -> memref<1x128x128xf32, #tpu.memory_space<vmem>>
    %dma_start3A_65 = tpu.memref_squeeze %dma_start3A_64 : memref<1x128x128xf32, #tpu.memory_space<vmem>> -> memref<128x128xf32, #tpu.memory_space<vmem>>
    %dma_start3A_66 = arith.constant 384 : i32
    %dma_start3A_67 = tpu.memref_slice %arg8[%dma_start3A_66] : memref<512xi32, #tpu.memory_space<vmem>> -> memref<128xi32, #tpu.memory_space<vmem>>
    %dma_start3A_68 = arith.constant 0 : i32
    %dma_start3A_69 = arith.constant 0 : i32
    %dma_start3A_70 = tpu.memref_slice %arg2[%dma_start3A_68, %dma_start3A_69] : memref<100000x128xf32, #tpu.memory_space<hbm>> -> memref<100000x128xf32, #tpu.memory_space<hbm>>
    %dma_start3A_71 = tpu.memref_slice %arg11[%dma_start3A_61] : memref<7x!tpu.dma_semaphore, #tpu.memory_space<semaphore_mem>> -> memref<1x!tpu.dma_semaphore, #tpu.memory_space<semaphore_mem>>
    %dma_start3A_72 = tpu.memref_squeeze %dma_start3A_71 : memref<1x!tpu.dma_semaphore, #tpu.memory_space<semaphore_mem>> -> memref<!tpu.dma_semaphore, #tpu.memory_space<semaphore_mem>>
    tpu.enqueue_indirect_dma source(%dma_start3A_70 : memref<100000x128xf32, #tpu.memory_space<hbm>>) target(%dma_start3A_65 : memref<128x128xf32, #tpu.memory_space<vmem>>) offsets(%dma_start3A_67 : memref<128xi32, #tpu.memory_space<vmem>>) semaphore(%dma_start3A_72 : memref<!tpu.dma_semaphore, #tpu.memory_space<semaphore_mem>>)
    %dma_start3A_73 = arith.constant 4 : i32
    %dma_start3A_74 = arith.constant 4 : i32
    %dma_start3A_75 = arith.constant 0 : i32
    %dma_start3A_76 = arith.constant 0 : i32
    %dma_start3A_77 = tpu.memref_slice %arg10[%dma_start3A_73, %dma_start3A_75, %dma_start3A_76] : memref<7x128x128xf32, #tpu.memory_space<vmem>> -> memref<1x128x128xf32, #tpu.memory_space<vmem>>
    %dma_start3A_78 = tpu.memref_squeeze %dma_start3A_77 : memref<1x128x128xf32, #tpu.memory_space<vmem>> -> memref<128x128xf32, #tpu.memory_space<vmem>>
    %dma_start3A_79 = arith.constant 0 : i32
    %dma_start3A_80 = tpu.memref_slice %arg9[%dma_start3A_79] : memref<512xi32, #tpu.memory_space<vmem>> -> memref<128xi32, #tpu.memory_space<vmem>>
    %dma_start3A_81 = arith.constant 0 : i32
    %dma_start3A_82 = arith.constant 0 : i32
    %dma_start3A_83 = tpu.memref_slice %arg3[%dma_start3A_81, %dma_start3A_82] : memref<100000x128xf32, #tpu.memory_space<hbm>> -> memref<100000x128xf32, #tpu.memory_space<hbm>>
    %dma_start3A_84 = tpu.memref_slice %arg11[%dma_start3A_74] : memref<7x!tpu.dma_semaphore, #tpu.memory_space<semaphore_mem>> -> memref<1x!tpu.dma_semaphore, #tpu.memory_space<semaphore_mem>>
    %dma_start3A_85 = tpu.memref_squeeze %dma_start3A_84 : memref<1x!tpu.dma_semaphore, #tpu.memory_space<semaphore_mem>> -> memref<!tpu.dma_semaphore, #tpu.memory_space<semaphore_mem>>
    tpu.enqueue_indirect_dma source(%dma_start3A_83 : memref<100000x128xf32, #tpu.memory_space<hbm>>) target(%dma_start3A_78 : memref<128x128xf32, #tpu.memory_space<vmem>>) offsets(%dma_start3A_80 : memref<128xi32, #tpu.memory_space<vmem>>) semaphore(%dma_start3A_85 : memref<!tpu.dma_semaphore, #tpu.memory_space<semaphore_mem>>)
    %dma_start3A_86 = arith.constant 5 : i32
    %dma_start3A_87 = arith.constant 5 : i32
    %dma_start3A_88 = arith.constant 0 : i32
    %dma_start3A_89 = arith.constant 0 : i32
    %dma_start3A_90 = tpu.memref_slice %arg10[%dma_start3A_86, %dma_start3A_88, %dma_start3A_89] : memref<7x128x128xf32, #tpu.memory_space<vmem>> -> memref<1x128x128xf32, #tpu.memory_space<vmem>>
    %dma_start3A_91 = tpu.memref_squeeze %dma_start3A_90 : memref<1x128x128xf32, #tpu.memory_space<vmem>> -> memref<128x128xf32, #tpu.memory_space<vmem>>
    %dma_start3A_92 = arith.constant 128 : i32
    %dma_start3A_93 = tpu.memref_slice %arg9[%dma_start3A_92] : memref<512xi32, #tpu.memory_space<vmem>> -> memref<128xi32, #tpu.memory_space<vmem>>
    %dma_start3A_94 = arith.constant 0 : i32
    %dma_start3A_95 = arith.constant 0 : i32
    %dma_start3A_96 = tpu.memref_slice %arg3[%dma_start3A_94, %dma_start3A_95] : memref<100000x128xf32, #tpu.memory_space<hbm>> -> memref<100000x128xf32, #tpu.memory_space<hbm>>
    %dma_start3A_97 = tpu.memref_slice %arg11[%dma_start3A_87] : memref<7x!tpu.dma_semaphore, #tpu.memory_space<semaphore_mem>> -> memref<1x!tpu.dma_semaphore, #tpu.memory_space<semaphore_mem>>
    %dma_start3A_98 = tpu.memref_squeeze %dma_start3A_97 : memref<1x!tpu.dma_semaphore, #tpu.memory_space<semaphore_mem>> -> memref<!tpu.dma_semaphore, #tpu.memory_space<semaphore_mem>>
    tpu.enqueue_indirect_dma source(%dma_start3A_96 : memref<100000x128xf32, #tpu.memory_space<hbm>>) target(%dma_start3A_91 : memref<128x128xf32, #tpu.memory_space<vmem>>) offsets(%dma_start3A_93 : memref<128xi32, #tpu.memory_space<vmem>>) semaphore(%dma_start3A_98 : memref<!tpu.dma_semaphore, #tpu.memory_space<semaphore_mem>>)
    %dma_start3A_99 = arith.constant 6 : i32
    %dma_start3A_100 = arith.constant 6 : i32
    %dma_start3A_101 = arith.constant 0 : i32
    %dma_start3A_102 = arith.constant 0 : i32
    %dma_start3A_103 = tpu.memref_slice %arg10[%dma_start3A_99, %dma_start3A_101, %dma_start3A_102] : memref<7x128x128xf32, #tpu.memory_space<vmem>> -> memref<1x128x128xf32, #tpu.memory_space<vmem>>
    %dma_start3A_104 = tpu.memref_squeeze %dma_start3A_103 : memref<1x128x128xf32, #tpu.memory_space<vmem>> -> memref<128x128xf32, #tpu.memory_space<vmem>>
    %dma_start3A_105 = arith.constant 256 : i32
    %dma_start3A_106 = tpu.memref_slice %arg9[%dma_start3A_105] : memref<512xi32, #tpu.memory_space<vmem>> -> memref<128xi32, #tpu.memory_space<vmem>>
    %dma_start3A_107 = arith.constant 0 : i32
    %dma_start3A_108 = arith.constant 0 : i32
    %dma_start3A_109 = tpu.memref_slice %arg3[%dma_start3A_107, %dma_start3A_108] : memref<100000x128xf32, #tpu.memory_space<hbm>> -> memref<100000x128xf32, #tpu.memory_space<hbm>>
    %dma_start3A_110 = tpu.memref_slice %arg11[%dma_start3A_100] : memref<7x!tpu.dma_semaphore, #tpu.memory_space<semaphore_mem>> -> memref<1x!tpu.dma_semaphore, #tpu.memory_space<semaphore_mem>>
    %dma_start3A_111 = tpu.memref_squeeze %dma_start3A_110 : memref<1x!tpu.dma_semaphore, #tpu.memory_space<semaphore_mem>> -> memref<!tpu.dma_semaphore, #tpu.memory_space<semaphore_mem>>
    tpu.enqueue_indirect_dma source(%dma_start3A_109 : memref<100000x128xf32, #tpu.memory_space<hbm>>) target(%dma_start3A_104 : memref<128x128xf32, #tpu.memory_space<vmem>>) offsets(%dma_start3A_106 : memref<128xi32, #tpu.memory_space<vmem>>) semaphore(%dma_start3A_111 : memref<!tpu.dma_semaphore, #tpu.memory_space<semaphore_mem>>)
    %add3A_112 = arith.constant 0 : i32
    %add3A_113 = arith.addi %mul3A_2, %add3A_112 : i32
    %dma_wait3A_114 = arith.constant 0 : i32
    %dma_wait3A_115 = arith.constant 0 : i32
    %dma_wait3A_116 = arith.constant 0 : i32
    %dma_wait3A_117 = arith.constant 0 : i32
    %dma_wait3A_118 = tpu.memref_slice %arg10[%dma_wait3A_114, %dma_wait3A_116, %dma_wait3A_117] : memref<7x128x128xf32, #tpu.memory_space<vmem>> -> memref<1x128x128xf32, #tpu.memory_space<vmem>>
    %dma_wait3A_119 = tpu.memref_squeeze %dma_wait3A_118 : memref<1x128x128xf32, #tpu.memory_space<vmem>> -> memref<128x128xf32, #tpu.memory_space<vmem>>
    %dma_wait3A_120 = arith.constant 0 : i32
    %dma_wait3A_121 = tpu.memref_slice %arg8[%dma_wait3A_120] : memref<512xi32, #tpu.memory_space<vmem>> -> memref<128xi32, #tpu.memory_space<vmem>>
    %dma_wait3A_122 = arith.constant 0 : i32
    %dma_wait3A_123 = arith.constant 0 : i32
    %dma_wait3A_124 = tpu.memref_slice %arg2[%dma_wait3A_122, %dma_wait3A_123] : memref<100000x128xf32, #tpu.memory_space<hbm>> -> memref<100000x128xf32, #tpu.memory_space<hbm>>
    %dma_wait3A_125 = tpu.memref_slice %arg11[%dma_wait3A_115] : memref<7x!tpu.dma_semaphore, #tpu.memory_space<semaphore_mem>> -> memref<1x!tpu.dma_semaphore, #tpu.memory_space<semaphore_mem>>
    %dma_wait3A_126 = tpu.memref_squeeze %dma_wait3A_125 : memref<1x!tpu.dma_semaphore, #tpu.memory_space<semaphore_mem>> -> memref<!tpu.dma_semaphore, #tpu.memory_space<semaphore_mem>>
    tpu.wait_indirect_dma semaphore(%dma_wait3A_126 : memref<!tpu.dma_semaphore, #tpu.memory_space<semaphore_mem>>) src(%dma_wait3A_124 : memref<100000x128xf32, #tpu.memory_space<hbm>>) dst(%dma_wait3A_119 : memref<128x128xf32, #tpu.memory_space<vmem>>)
    %dma_start3A_127 = arith.constant 0 : i32
    %dma_start3A_128 = arith.constant 0 : i32
    %dma_start3A_129 = arith.constant 0 : i32
    %dma_start3A_130 = arith.constant 0 : i32
    %dma_start3A_131 = tpu.memref_slice %arg10[%dma_start3A_127, %dma_start3A_129, %dma_start3A_130] : memref<7x128x128xf32, #tpu.memory_space<vmem>> -> memref<1x128x128xf32, #tpu.memory_space<vmem>>
    %dma_start3A_132 = tpu.memref_squeeze %dma_start3A_131 : memref<1x128x128xf32, #tpu.memory_space<vmem>> -> memref<128x128xf32, #tpu.memory_space<vmem>>
    %dma_start3A_133 = arith.constant 0 : i32
    %dma_start3A_134 = tpu.memref_slice %arg6[%add3A_113, %dma_start3A_133] : memref<16384x128xf32, #tpu.memory_space<hbm>> -> memref<128x128xf32, #tpu.memory_space<hbm>>
    %dma_start3A_135 = tpu.memref_slice %arg12[%dma_start3A_128] : memref<7x!tpu.dma_semaphore, #tpu.memory_space<semaphore_mem>> -> memref<1x!tpu.dma_semaphore, #tpu.memory_space<semaphore_mem>>
    %dma_start3A_136 = tpu.memref_squeeze %dma_start3A_135 : memref<1x!tpu.dma_semaphore, #tpu.memory_space<semaphore_mem>> -> memref<!tpu.dma_semaphore, #tpu.memory_space<semaphore_mem>>
    %dma_start3A_137 = arith.constant 0 : i32
    %dma_start3A_138 = tpu.memref_slice %arg6[%add3A_113, %dma_start3A_137] : memref<16384x128xf32, #tpu.memory_space<hbm>> -> memref<128x128xf32, #tpu.memory_space<hbm>>
    %dma_start3A_139 = arith.constant 0 : i32
    %dma_start3A_140 = arith.constant 0 : i32
    %dma_start3A_141 = tpu.memref_slice %arg10[%dma_start3A_127, %dma_start3A_139, %dma_start3A_140] : memref<7x128x128xf32, #tpu.memory_space<vmem>> -> memref<1x128x128xf32, #tpu.memory_space<vmem>>
    %dma_start3A_142 = tpu.memref_squeeze %dma_start3A_141 : memref<1x128x128xf32, #tpu.memory_space<vmem>> -> memref<128x128xf32, #tpu.memory_space<vmem>>
    tpu.enqueue_dma source(%dma_start3A_142 : memref<128x128xf32, #tpu.memory_space<vmem>>) target(%dma_start3A_138 : memref<128x128xf32, #tpu.memory_space<hbm>>) target_semaphore(%dma_start3A_136 : memref<!tpu.dma_semaphore, #tpu.memory_space<semaphore_mem>>)
    %dma_wait3A_143 = arith.constant 0 : i32
    %dma_wait3A_144 = arith.constant 0 : i32
    %dma_wait3A_145 = arith.constant 0 : i32
    %dma_wait3A_146 = arith.constant 0 : i32
    %dma_wait3A_147 = tpu.memref_slice %arg10[%dma_wait3A_143, %dma_wait3A_145, %dma_wait3A_146] : memref<7x128x128xf32, #tpu.memory_space<vmem>> -> memref<1x128x128xf32, #tpu.memory_space<vmem>>
    %dma_wait3A_148 = tpu.memref_squeeze %dma_wait3A_147 : memref<1x128x128xf32, #tpu.memory_space<vmem>> -> memref<128x128xf32, #tpu.memory_space<vmem>>
    %dma_wait3A_149 = arith.constant 0 : i32
    %dma_wait3A_150 = tpu.memref_slice %arg6[%add3A_113, %dma_wait3A_149] : memref<16384x128xf32, #tpu.memory_space<hbm>> -> memref<128x128xf32, #tpu.memory_space<hbm>>
    %dma_wait3A_151 = tpu.memref_slice %arg12[%dma_wait3A_144] : memref<7x!tpu.dma_semaphore, #tpu.memory_space<semaphore_mem>> -> memref<1x!tpu.dma_semaphore, #tpu.memory_space<semaphore_mem>>
    %dma_wait3A_152 = tpu.memref_squeeze %dma_wait3A_151 : memref<1x!tpu.dma_semaphore, #tpu.memory_space<semaphore_mem>> -> memref<!tpu.dma_semaphore, #tpu.memory_space<semaphore_mem>>
    %dma_wait3A_153 = arith.constant 0 : i32
    %dma_wait3A_154 = tpu.memref_slice %arg6[%add3A_113, %dma_wait3A_153] : memref<16384x128xf32, #tpu.memory_space<hbm>> -> memref<128x128xf32, #tpu.memory_space<hbm>>
    %dma_wait3A_155 = arith.constant 0 : i32
    %dma_wait3A_156 = arith.constant 0 : i32
    %dma_wait3A_157 = tpu.memref_slice %arg10[%dma_wait3A_143, %dma_wait3A_155, %dma_wait3A_156] : memref<7x128x128xf32, #tpu.memory_space<vmem>> -> memref<1x128x128xf32, #tpu.memory_space<vmem>>
    %dma_wait3A_158 = tpu.memref_squeeze %dma_wait3A_157 : memref<1x128x128xf32, #tpu.memory_space<vmem>> -> memref<128x128xf32, #tpu.memory_space<vmem>>
    tpu.wait_dma2 semaphore(%dma_wait3A_152 : memref<!tpu.dma_semaphore, #tpu.memory_space<semaphore_mem>>) src(%dma_wait3A_158 : memref<128x128xf32, #tpu.memory_space<vmem>>) dst(%dma_wait3A_154 : memref<128x128xf32, #tpu.memory_space<hbm>>)
    %dma_start3A_159 = arith.constant 0 : i32
    %dma_start3A_160 = arith.constant 0 : i32
    %dma_start3A_161 = arith.constant 0 : i32
    %dma_start3A_162 = arith.constant 0 : i32
    %dma_start3A_163 = tpu.memref_slice %arg10[%dma_start3A_159, %dma_start3A_161, %dma_start3A_162] : memref<7x128x128xf32, #tpu.memory_space<vmem>> -> memref<1x128x128xf32, #tpu.memory_space<vmem>>
    %dma_start3A_164 = tpu.memref_squeeze %dma_start3A_163 : memref<1x128x128xf32, #tpu.memory_space<vmem>> -> memref<128x128xf32, #tpu.memory_space<vmem>>
    %dma_start3A_165 = arith.constant 384 : i32
    %dma_start3A_166 = tpu.memref_slice %arg9[%dma_start3A_165] : memref<512xi32, #tpu.memory_space<vmem>> -> memref<128xi32, #tpu.memory_space<vmem>>
    %dma_start3A_167 = arith.constant 0 : i32
    %dma_start3A_168 = arith.constant 0 : i32
    %dma_start3A_169 = tpu.memref_slice %arg3[%dma_start3A_167, %dma_start3A_168] : memref<100000x128xf32, #tpu.memory_space<hbm>> -> memref<100000x128xf32, #tpu.memory_space<hbm>>
    %dma_start3A_170 = tpu.memref_slice %arg11[%dma_start3A_160] : memref<7x!tpu.dma_semaphore, #tpu.memory_space<semaphore_mem>> -> memref<1x!tpu.dma_semaphore, #tpu.memory_space<semaphore_mem>>
    %dma_start3A_171 = tpu.memref_squeeze %dma_start3A_170 : memref<1x!tpu.dma_semaphore, #tpu.memory_space<semaphore_mem>> -> memref<!tpu.dma_semaphore, #tpu.memory_space<semaphore_mem>>
    tpu.enqueue_indirect_dma source(%dma_start3A_169 : memref<100000x128xf32, #tpu.memory_space<hbm>>) target(%dma_start3A_164 : memref<128x128xf32, #tpu.memory_space<vmem>>) offsets(%dma_start3A_166 : memref<128xi32, #tpu.memory_space<vmem>>) semaphore(%dma_start3A_171 : memref<!tpu.dma_semaphore, #tpu.memory_space<semaphore_mem>>)
    %add3A_172 = arith.constant 128 : i32
    %add3A_173 = arith.addi %mul3A_2, %add3A_172 : i32
    %dma_wait3A_174 = arith.constant 1 : i32
    %dma_wait3A_175 = arith.constant 1 : i32
    %dma_wait3A_176 = arith.constant 0 : i32
    %dma_wait3A_177 = arith.constant 0 : i32
    %dma_wait3A_178 = tpu.memref_slice %arg10[%dma_wait3A_174, %dma_wait3A_176, %dma_wait3A_177] : memref<7x128x128xf32, #tpu.memory_space<vmem>> -> memref<1x128x128xf32, #tpu.memory_space<vmem>>
    %dma_wait3A_179 = tpu.memref_squeeze %dma_wait3A_178 : memref<1x128x128xf32, #tpu.memory_space<vmem>> -> memref<128x128xf32, #tpu.memory_space<vmem>>
    %dma_wait3A_180 = arith.constant 128 : i32
    %dma_wait3A_181 = tpu.memref_slice %arg8[%dma_wait3A_180] : memref<512xi32, #tpu.memory_space<vmem>> -> memref<128xi32, #tpu.memory_space<vmem>>
    %dma_wait3A_182 = arith.constant 0 : i32
    %dma_wait3A_183 = arith.constant 0 : i32
    %dma_wait3A_184 = tpu.memref_slice %arg2[%dma_wait3A_182, %dma_wait3A_183] : memref<100000x128xf32, #tpu.memory_space<hbm>> -> memref<100000x128xf32, #tpu.memory_space<hbm>>
    %dma_wait3A_185 = tpu.memref_slice %arg11[%dma_wait3A_175] : memref<7x!tpu.dma_semaphore, #tpu.memory_space<semaphore_mem>> -> memref<1x!tpu.dma_semaphore, #tpu.memory_space<semaphore_mem>>
    %dma_wait3A_186 = tpu.memref_squeeze %dma_wait3A_185 : memref<1x!tpu.dma_semaphore, #tpu.memory_space<semaphore_mem>> -> memref<!tpu.dma_semaphore, #tpu.memory_space<semaphore_mem>>
    tpu.wait_indirect_dma semaphore(%dma_wait3A_186 : memref<!tpu.dma_semaphore, #tpu.memory_space<semaphore_mem>>) src(%dma_wait3A_184 : memref<100000x128xf32, #tpu.memory_space<hbm>>) dst(%dma_wait3A_179 : memref<128x128xf32, #tpu.memory_space<vmem>>)
    %dma_start3A_187 = arith.constant 1 : i32
    %dma_start3A_188 = arith.constant 1 : i32
    %dma_start3A_189 = arith.constant 0 : i32
    %dma_start3A_190 = arith.constant 0 : i32
    %dma_start3A_191 = tpu.memref_slice %arg10[%dma_start3A_187, %dma_start3A_189, %dma_start3A_190] : memref<7x128x128xf32, #tpu.memory_space<vmem>> -> memref<1x128x128xf32, #tpu.memory_space<vmem>>
    %dma_start3A_192 = tpu.memref_squeeze %dma_start3A_191 : memref<1x128x128xf32, #tpu.memory_space<vmem>> -> memref<128x128xf32, #tpu.memory_space<vmem>>
    %dma_start3A_193 = arith.constant 0 : i32
    %dma_start3A_194 = tpu.memref_slice %arg6[%add3A_173, %dma_start3A_193] : memref<16384x128xf32, #tpu.memory_space<hbm>> -> memref<128x128xf32, #tpu.memory_space<hbm>>
    %dma_start3A_195 = tpu.memref_slice %arg12[%dma_start3A_188] : memref<7x!tpu.dma_semaphore, #tpu.memory_space<semaphore_mem>> -> memref<1x!tpu.dma_semaphore, #tpu.memory_space<semaphore_mem>>
    %dma_start3A_196 = tpu.memref_squeeze %dma_start3A_195 : memref<1x!tpu.dma_semaphore, #tpu.memory_space<semaphore_mem>> -> memref<!tpu.dma_semaphore, #tpu.memory_space<semaphore_mem>>
    %dma_start3A_197 = arith.constant 0 : i32
    %dma_start3A_198 = tpu.memref_slice %arg6[%add3A_173, %dma_start3A_197] : memref<16384x128xf32, #tpu.memory_space<hbm>> -> memref<128x128xf32, #tpu.memory_space<hbm>>
    %dma_start3A_199 = arith.constant 0 : i32
    %dma_start3A_200 = arith.constant 0 : i32
    %dma_start3A_201 = tpu.memref_slice %arg10[%dma_start3A_187, %dma_start3A_199, %dma_start3A_200] : memref<7x128x128xf32, #tpu.memory_space<vmem>> -> memref<1x128x128xf32, #tpu.memory_space<vmem>>
    %dma_start3A_202 = tpu.memref_squeeze %dma_start3A_201 : memref<1x128x128xf32, #tpu.memory_space<vmem>> -> memref<128x128xf32, #tpu.memory_space<vmem>>
    tpu.enqueue_dma source(%dma_start3A_202 : memref<128x128xf32, #tpu.memory_space<vmem>>) target(%dma_start3A_198 : memref<128x128xf32, #tpu.memory_space<hbm>>) target_semaphore(%dma_start3A_196 : memref<!tpu.dma_semaphore, #tpu.memory_space<semaphore_mem>>)
    %add3A_203 = arith.constant 256 : i32
    %add3A_204 = arith.addi %mul3A_2, %add3A_203 : i32
    %dma_wait3A_205 = arith.constant 2 : i32
    %dma_wait3A_206 = arith.constant 2 : i32
    %dma_wait3A_207 = arith.constant 0 : i32
    %dma_wait3A_208 = arith.constant 0 : i32
    %dma_wait3A_209 = tpu.memref_slice %arg10[%dma_wait3A_205, %dma_wait3A_207, %dma_wait3A_208] : memref<7x128x128xf32, #tpu.memory_space<vmem>> -> memref<1x128x128xf32, #tpu.memory_space<vmem>>
    %dma_wait3A_210 = tpu.memref_squeeze %dma_wait3A_209 : memref<1x128x128xf32, #tpu.memory_space<vmem>> -> memref<128x128xf32, #tpu.memory_space<vmem>>
    %dma_wait3A_211 = arith.constant 256 : i32
    %dma_wait3A_212 = tpu.memref_slice %arg8[%dma_wait3A_211] : memref<512xi32, #tpu.memory_space<vmem>> -> memref<128xi32, #tpu.memory_space<vmem>>
    %dma_wait3A_213 = arith.constant 0 : i32
    %dma_wait3A_214 = arith.constant 0 : i32
    %dma_wait3A_215 = tpu.memref_slice %arg2[%dma_wait3A_213, %dma_wait3A_214] : memref<100000x128xf32, #tpu.memory_space<hbm>> -> memref<100000x128xf32, #tpu.memory_space<hbm>>
    %dma_wait3A_216 = tpu.memref_slice %arg11[%dma_wait3A_206] : memref<7x!tpu.dma_semaphore, #tpu.memory_space<semaphore_mem>> -> memref<1x!tpu.dma_semaphore, #tpu.memory_space<semaphore_mem>>
    %dma_wait3A_217 = tpu.memref_squeeze %dma_wait3A_216 : memref<1x!tpu.dma_semaphore, #tpu.memory_space<semaphore_mem>> -> memref<!tpu.dma_semaphore, #tpu.memory_space<semaphore_mem>>
    tpu.wait_indirect_dma semaphore(%dma_wait3A_217 : memref<!tpu.dma_semaphore, #tpu.memory_space<semaphore_mem>>) src(%dma_wait3A_215 : memref<100000x128xf32, #tpu.memory_space<hbm>>) dst(%dma_wait3A_210 : memref<128x128xf32, #tpu.memory_space<vmem>>)
    %dma_start3A_218 = arith.constant 2 : i32
    %dma_start3A_219 = arith.constant 2 : i32
    %dma_start3A_220 = arith.constant 0 : i32
    %dma_start3A_221 = arith.constant 0 : i32
    %dma_start3A_222 = tpu.memref_slice %arg10[%dma_start3A_218, %dma_start3A_220, %dma_start3A_221] : memref<7x128x128xf32, #tpu.memory_space<vmem>> -> memref<1x128x128xf32, #tpu.memory_space<vmem>>
    %dma_start3A_223 = tpu.memref_squeeze %dma_start3A_222 : memref<1x128x128xf32, #tpu.memory_space<vmem>> -> memref<128x128xf32, #tpu.memory_space<vmem>>
    %dma_start3A_224 = arith.constant 0 : i32
    %dma_start3A_225 = tpu.memref_slice %arg6[%add3A_204, %dma_start3A_224] : memref<16384x128xf32, #tpu.memory_space<hbm>> -> memref<128x128xf32, #tpu.memory_space<hbm>>
    %dma_start3A_226 = tpu.memref_slice %arg12[%dma_start3A_219] : memref<7x!tpu.dma_semaphore, #tpu.memory_space<semaphore_mem>> -> memref<1x!tpu.dma_semaphore, #tpu.memory_space<semaphore_mem>>
    %dma_start3A_227 = tpu.memref_squeeze %dma_start3A_226 : memref<1x!tpu.dma_semaphore, #tpu.memory_space<semaphore_mem>> -> memref<!tpu.dma_semaphore, #tpu.memory_space<semaphore_mem>>
    %dma_start3A_228 = arith.constant 0 : i32
    %dma_start3A_229 = tpu.memref_slice %arg6[%add3A_204, %dma_start3A_228] : memref<16384x128xf32, #tpu.memory_space<hbm>> -> memref<128x128xf32, #tpu.memory_space<hbm>>
    %dma_start3A_230 = arith.constant 0 : i32
    %dma_start3A_231 = arith.constant 0 : i32
    %dma_start3A_232 = tpu.memref_slice %arg10[%dma_start3A_218, %dma_start3A_230, %dma_start3A_231] : memref<7x128x128xf32, #tpu.memory_space<vmem>> -> memref<1x128x128xf32, #tpu.memory_space<vmem>>
    %dma_start3A_233 = tpu.memref_squeeze %dma_start3A_232 : memref<1x128x128xf32, #tpu.memory_space<vmem>> -> memref<128x128xf32, #tpu.memory_space<vmem>>
    tpu.enqueue_dma source(%dma_start3A_233 : memref<128x128xf32, #tpu.memory_space<vmem>>) target(%dma_start3A_229 : memref<128x128xf32, #tpu.memory_space<hbm>>) target_semaphore(%dma_start3A_227 : memref<!tpu.dma_semaphore, #tpu.memory_space<semaphore_mem>>)
    %add3A_234 = arith.constant 384 : i32
    %add3A_235 = arith.addi %mul3A_2, %add3A_234 : i32
    %dma_wait3A_236 = arith.constant 3 : i32
    %dma_wait3A_237 = arith.constant 3 : i32
    %dma_wait3A_238 = arith.constant 0 : i32
    %dma_wait3A_239 = arith.constant 0 : i32
    %dma_wait3A_240 = tpu.memref_slice %arg10[%dma_wait3A_236, %dma_wait3A_238, %dma_wait3A_239] : memref<7x128x128xf32, #tpu.memory_space<vmem>> -> memref<1x128x128xf32, #tpu.memory_space<vmem>>
    %dma_wait3A_241 = tpu.memref_squeeze %dma_wait3A_240 : memref<1x128x128xf32, #tpu.memory_space<vmem>> -> memref<128x128xf32, #tpu.memory_space<vmem>>
    %dma_wait3A_242 = arith.constant 384 : i32
    %dma_wait3A_243 = tpu.memref_slice %arg8[%dma_wait3A_242] : memref<512xi32, #tpu.memory_space<vmem>> -> memref<128xi32, #tpu.memory_space<vmem>>
    %dma_wait3A_244 = arith.constant 0 : i32
    %dma_wait3A_245 = arith.constant 0 : i32
    %dma_wait3A_246 = tpu.memref_slice %arg2[%dma_wait3A_244, %dma_wait3A_245] : memref<100000x128xf32, #tpu.memory_space<hbm>> -> memref<100000x128xf32, #tpu.memory_space<hbm>>
    %dma_wait3A_247 = tpu.memref_slice %arg11[%dma_wait3A_237] : memref<7x!tpu.dma_semaphore, #tpu.memory_space<semaphore_mem>> -> memref<1x!tpu.dma_semaphore, #tpu.memory_space<semaphore_mem>>
    %dma_wait3A_248 = tpu.memref_squeeze %dma_wait3A_247 : memref<1x!tpu.dma_semaphore, #tpu.memory_space<semaphore_mem>> -> memref<!tpu.dma_semaphore, #tpu.memory_space<semaphore_mem>>
    tpu.wait_indirect_dma semaphore(%dma_wait3A_248 : memref<!tpu.dma_semaphore, #tpu.memory_space<semaphore_mem>>) src(%dma_wait3A_246 : memref<100000x128xf32, #tpu.memory_space<hbm>>) dst(%dma_wait3A_241 : memref<128x128xf32, #tpu.memory_space<vmem>>)
    %dma_start3A_249 = arith.constant 3 : i32
    %dma_start3A_250 = arith.constant 3 : i32
    %dma_start3A_251 = arith.constant 0 : i32
    %dma_start3A_252 = arith.constant 0 : i32
    %dma_start3A_253 = tpu.memref_slice %arg10[%dma_start3A_249, %dma_start3A_251, %dma_start3A_252] : memref<7x128x128xf32, #tpu.memory_space<vmem>> -> memref<1x128x128xf32, #tpu.memory_space<vmem>>
    %dma_start3A_254 = tpu.memref_squeeze %dma_start3A_253 : memref<1x128x128xf32, #tpu.memory_space<vmem>> -> memref<128x128xf32, #tpu.memory_space<vmem>>
    %dma_start3A_255 = arith.constant 0 : i32
    %dma_start3A_256 = tpu.memref_slice %arg6[%add3A_235, %dma_start3A_255] : memref<16384x128xf32, #tpu.memory_space<hbm>> -> memref<128x128xf32, #tpu.memory_space<hbm>>
    %dma_start3A_257 = tpu.memref_slice %arg12[%dma_start3A_250] : memref<7x!tpu.dma_semaphore, #tpu.memory_space<semaphore_mem>> -> memref<1x!tpu.dma_semaphore, #tpu.memory_space<semaphore_mem>>
    %dma_start3A_258 = tpu.memref_squeeze %dma_start3A_257 : memref<1x!tpu.dma_semaphore, #tpu.memory_space<semaphore_mem>> -> memref<!tpu.dma_semaphore, #tpu.memory_space<semaphore_mem>>
    %dma_start3A_259 = arith.constant 0 : i32
    %dma_start3A_260 = tpu.memref_slice %arg6[%add3A_235, %dma_start3A_259] : memref<16384x128xf32, #tpu.memory_space<hbm>> -> memref<128x128xf32, #tpu.memory_space<hbm>>
    %dma_start3A_261 = arith.constant 0 : i32
    %dma_start3A_262 = arith.constant 0 : i32
    %dma_start3A_263 = tpu.memref_slice %arg10[%dma_start3A_249, %dma_start3A_261, %dma_start3A_262] : memref<7x128x128xf32, #tpu.memory_space<vmem>> -> memref<1x128x128xf32, #tpu.memory_space<vmem>>
    %dma_start3A_264 = tpu.memref_squeeze %dma_start3A_263 : memref<1x128x128xf32, #tpu.memory_space<vmem>> -> memref<128x128xf32, #tpu.memory_space<vmem>>
    tpu.enqueue_dma source(%dma_start3A_264 : memref<128x128xf32, #tpu.memory_space<vmem>>) target(%dma_start3A_260 : memref<128x128xf32, #tpu.memory_space<hbm>>) target_semaphore(%dma_start3A_258 : memref<!tpu.dma_semaphore, #tpu.memory_space<semaphore_mem>>)
    %add3A_265 = arith.constant 0 : i32
    %add3A_266 = arith.addi %mul3A_2, %add3A_265 : i32
    %dma_wait3A_267 = arith.constant 4 : i32
    %dma_wait3A_268 = arith.constant 4 : i32
    %dma_wait3A_269 = arith.constant 0 : i32
    %dma_wait3A_270 = arith.constant 0 : i32
    %dma_wait3A_271 = tpu.memref_slice %arg10[%dma_wait3A_267, %dma_wait3A_269, %dma_wait3A_270] : memref<7x128x128xf32, #tpu.memory_space<vmem>> -> memref<1x128x128xf32, #tpu.memory_space<vmem>>
    %dma_wait3A_272 = tpu.memref_squeeze %dma_wait3A_271 : memref<1x128x128xf32, #tpu.memory_space<vmem>> -> memref<128x128xf32, #tpu.memory_space<vmem>>
    %dma_wait3A_273 = arith.constant 0 : i32
    %dma_wait3A_274 = tpu.memref_slice %arg9[%dma_wait3A_273] : memref<512xi32, #tpu.memory_space<vmem>> -> memref<128xi32, #tpu.memory_space<vmem>>
    %dma_wait3A_275 = arith.constant 0 : i32
    %dma_wait3A_276 = arith.constant 0 : i32
    %dma_wait3A_277 = tpu.memref_slice %arg3[%dma_wait3A_275, %dma_wait3A_276] : memref<100000x128xf32, #tpu.memory_space<hbm>> -> memref<100000x128xf32, #tpu.memory_space<hbm>>
    %dma_wait3A_278 = tpu.memref_slice %arg11[%dma_wait3A_268] : memref<7x!tpu.dma_semaphore, #tpu.memory_space<semaphore_mem>> -> memref<1x!tpu.dma_semaphore, #tpu.memory_space<semaphore_mem>>
    %dma_wait3A_279 = tpu.memref_squeeze %dma_wait3A_278 : memref<1x!tpu.dma_semaphore, #tpu.memory_space<semaphore_mem>> -> memref<!tpu.dma_semaphore, #tpu.memory_space<semaphore_mem>>
    tpu.wait_indirect_dma semaphore(%dma_wait3A_279 : memref<!tpu.dma_semaphore, #tpu.memory_space<semaphore_mem>>) src(%dma_wait3A_277 : memref<100000x128xf32, #tpu.memory_space<hbm>>) dst(%dma_wait3A_272 : memref<128x128xf32, #tpu.memory_space<vmem>>)
    %dma_start3A_280 = arith.constant 4 : i32
    %dma_start3A_281 = arith.constant 4 : i32
    %dma_start3A_282 = arith.constant 0 : i32
    %dma_start3A_283 = arith.constant 0 : i32
    %dma_start3A_284 = tpu.memref_slice %arg10[%dma_start3A_280, %dma_start3A_282, %dma_start3A_283] : memref<7x128x128xf32, #tpu.memory_space<vmem>> -> memref<1x128x128xf32, #tpu.memory_space<vmem>>
    %dma_start3A_285 = tpu.memref_squeeze %dma_start3A_284 : memref<1x128x128xf32, #tpu.memory_space<vmem>> -> memref<128x128xf32, #tpu.memory_space<vmem>>
    %dma_start3A_286 = arith.constant 0 : i32
    %dma_start3A_287 = tpu.memref_slice %arg7[%add3A_266, %dma_start3A_286] : memref<16384x128xf32, #tpu.memory_space<hbm>> -> memref<128x128xf32, #tpu.memory_space<hbm>>
    %dma_start3A_288 = tpu.memref_slice %arg12[%dma_start3A_281] : memref<7x!tpu.dma_semaphore, #tpu.memory_space<semaphore_mem>> -> memref<1x!tpu.dma_semaphore, #tpu.memory_space<semaphore_mem>>
    %dma_start3A_289 = tpu.memref_squeeze %dma_start3A_288 : memref<1x!tpu.dma_semaphore, #tpu.memory_space<semaphore_mem>> -> memref<!tpu.dma_semaphore, #tpu.memory_space<semaphore_mem>>
    %dma_start3A_290 = arith.constant 0 : i32
    %dma_start3A_291 = tpu.memref_slice %arg7[%add3A_266, %dma_start3A_290] : memref<16384x128xf32, #tpu.memory_space<hbm>> -> memref<128x128xf32, #tpu.memory_space<hbm>>
    %dma_start3A_292 = arith.constant 0 : i32
    %dma_start3A_293 = arith.constant 0 : i32
    %dma_start3A_294 = tpu.memref_slice %arg10[%dma_start3A_280, %dma_start3A_292, %dma_start3A_293] : memref<7x128x128xf32, #tpu.memory_space<vmem>> -> memref<1x128x128xf32, #tpu.memory_space<vmem>>
    %dma_start3A_295 = tpu.memref_squeeze %dma_start3A_294 : memref<1x128x128xf32, #tpu.memory_space<vmem>> -> memref<128x128xf32, #tpu.memory_space<vmem>>
    tpu.enqueue_dma source(%dma_start3A_295 : memref<128x128xf32, #tpu.memory_space<vmem>>) target(%dma_start3A_291 : memref<128x128xf32, #tpu.memory_space<hbm>>) target_semaphore(%dma_start3A_289 : memref<!tpu.dma_semaphore, #tpu.memory_space<semaphore_mem>>)
    %add3A_296 = arith.constant 128 : i32
    %add3A_297 = arith.addi %mul3A_2, %add3A_296 : i32
    %dma_wait3A_298 = arith.constant 5 : i32
    %dma_wait3A_299 = arith.constant 5 : i32
    %dma_wait3A_300 = arith.constant 0 : i32
    %dma_wait3A_301 = arith.constant 0 : i32
    %dma_wait3A_302 = tpu.memref_slice %arg10[%dma_wait3A_298, %dma_wait3A_300, %dma_wait3A_301] : memref<7x128x128xf32, #tpu.memory_space<vmem>> -> memref<1x128x128xf32, #tpu.memory_space<vmem>>
    %dma_wait3A_303 = tpu.memref_squeeze %dma_wait3A_302 : memref<1x128x128xf32, #tpu.memory_space<vmem>> -> memref<128x128xf32, #tpu.memory_space<vmem>>
    %dma_wait3A_304 = arith.constant 128 : i32
    %dma_wait3A_305 = tpu.memref_slice %arg9[%dma_wait3A_304] : memref<512xi32, #tpu.memory_space<vmem>> -> memref<128xi32, #tpu.memory_space<vmem>>
    %dma_wait3A_306 = arith.constant 0 : i32
    %dma_wait3A_307 = arith.constant 0 : i32
    %dma_wait3A_308 = tpu.memref_slice %arg3[%dma_wait3A_306, %dma_wait3A_307] : memref<100000x128xf32, #tpu.memory_space<hbm>> -> memref<100000x128xf32, #tpu.memory_space<hbm>>
    %dma_wait3A_309 = tpu.memref_slice %arg11[%dma_wait3A_299] : memref<7x!tpu.dma_semaphore, #tpu.memory_space<semaphore_mem>> -> memref<1x!tpu.dma_semaphore, #tpu.memory_space<semaphore_mem>>
    %dma_wait3A_310 = tpu.memref_squeeze %dma_wait3A_309 : memref<1x!tpu.dma_semaphore, #tpu.memory_space<semaphore_mem>> -> memref<!tpu.dma_semaphore, #tpu.memory_space<semaphore_mem>>
    tpu.wait_indirect_dma semaphore(%dma_wait3A_310 : memref<!tpu.dma_semaphore, #tpu.memory_space<semaphore_mem>>) src(%dma_wait3A_308 : memref<100000x128xf32, #tpu.memory_space<hbm>>) dst(%dma_wait3A_303 : memref<128x128xf32, #tpu.memory_space<vmem>>)
    %dma_start3A_311 = arith.constant 5 : i32
    %dma_start3A_312 = arith.constant 5 : i32
    %dma_start3A_313 = arith.constant 0 : i32
    %dma_start3A_314 = arith.constant 0 : i32
    %dma_start3A_315 = tpu.memref_slice %arg10[%dma_start3A_311, %dma_start3A_313, %dma_start3A_314] : memref<7x128x128xf32, #tpu.memory_space<vmem>> -> memref<1x128x128xf32, #tpu.memory_space<vmem>>
    %dma_start3A_316 = tpu.memref_squeeze %dma_start3A_315 : memref<1x128x128xf32, #tpu.memory_space<vmem>> -> memref<128x128xf32, #tpu.memory_space<vmem>>
    %dma_start3A_317 = arith.constant 0 : i32
    %dma_start3A_318 = tpu.memref_slice %arg7[%add3A_297, %dma_start3A_317] : memref<16384x128xf32, #tpu.memory_space<hbm>> -> memref<128x128xf32, #tpu.memory_space<hbm>>
    %dma_start3A_319 = tpu.memref_slice %arg12[%dma_start3A_312] : memref<7x!tpu.dma_semaphore, #tpu.memory_space<semaphore_mem>> -> memref<1x!tpu.dma_semaphore, #tpu.memory_space<semaphore_mem>>
    %dma_start3A_320 = tpu.memref_squeeze %dma_start3A_319 : memref<1x!tpu.dma_semaphore, #tpu.memory_space<semaphore_mem>> -> memref<!tpu.dma_semaphore, #tpu.memory_space<semaphore_mem>>
    %dma_start3A_321 = arith.constant 0 : i32
    %dma_start3A_322 = tpu.memref_slice %arg7[%add3A_297, %dma_start3A_321] : memref<16384x128xf32, #tpu.memory_space<hbm>> -> memref<128x128xf32, #tpu.memory_space<hbm>>
    %dma_start3A_323 = arith.constant 0 : i32
    %dma_start3A_324 = arith.constant 0 : i32
    %dma_start3A_325 = tpu.memref_slice %arg10[%dma_start3A_311, %dma_start3A_323, %dma_start3A_324] : memref<7x128x128xf32, #tpu.memory_space<vmem>> -> memref<1x128x128xf32, #tpu.memory_space<vmem>>
    %dma_start3A_326 = tpu.memref_squeeze %dma_start3A_325 : memref<1x128x128xf32, #tpu.memory_space<vmem>> -> memref<128x128xf32, #tpu.memory_space<vmem>>
    tpu.enqueue_dma source(%dma_start3A_326 : memref<128x128xf32, #tpu.memory_space<vmem>>) target(%dma_start3A_322 : memref<128x128xf32, #tpu.memory_space<hbm>>) target_semaphore(%dma_start3A_320 : memref<!tpu.dma_semaphore, #tpu.memory_space<semaphore_mem>>)
    %add3A_327 = arith.constant 256 : i32
    %add3A_328 = arith.addi %mul3A_2, %add3A_327 : i32
    %dma_wait3A_329 = arith.constant 6 : i32
    %dma_wait3A_330 = arith.constant 6 : i32
    %dma_wait3A_331 = arith.constant 0 : i32
    %dma_wait3A_332 = arith.constant 0 : i32
    %dma_wait3A_333 = tpu.memref_slice %arg10[%dma_wait3A_329, %dma_wait3A_331, %dma_wait3A_332] : memref<7x128x128xf32, #tpu.memory_space<vmem>> -> memref<1x128x128xf32, #tpu.memory_space<vmem>>
    %dma_wait3A_334 = tpu.memref_squeeze %dma_wait3A_333 : memref<1x128x128xf32, #tpu.memory_space<vmem>> -> memref<128x128xf32, #tpu.memory_space<vmem>>
    %dma_wait3A_335 = arith.constant 256 : i32
    %dma_wait3A_336 = tpu.memref_slice %arg9[%dma_wait3A_335] : memref<512xi32, #tpu.memory_space<vmem>> -> memref<128xi32, #tpu.memory_space<vmem>>
    %dma_wait3A_337 = arith.constant 0 : i32
    %dma_wait3A_338 = arith.constant 0 : i32
    %dma_wait3A_339 = tpu.memref_slice %arg3[%dma_wait3A_337, %dma_wait3A_338] : memref<100000x128xf32, #tpu.memory_space<hbm>> -> memref<100000x128xf32, #tpu.memory_space<hbm>>
    %dma_wait3A_340 = tpu.memref_slice %arg11[%dma_wait3A_330] : memref<7x!tpu.dma_semaphore, #tpu.memory_space<semaphore_mem>> -> memref<1x!tpu.dma_semaphore, #tpu.memory_space<semaphore_mem>>
    %dma_wait3A_341 = tpu.memref_squeeze %dma_wait3A_340 : memref<1x!tpu.dma_semaphore, #tpu.memory_space<semaphore_mem>> -> memref<!tpu.dma_semaphore, #tpu.memory_space<semaphore_mem>>
    tpu.wait_indirect_dma semaphore(%dma_wait3A_341 : memref<!tpu.dma_semaphore, #tpu.memory_space<semaphore_mem>>) src(%dma_wait3A_339 : memref<100000x128xf32, #tpu.memory_space<hbm>>) dst(%dma_wait3A_334 : memref<128x128xf32, #tpu.memory_space<vmem>>)
    %dma_start3A_342 = arith.constant 6 : i32
    %dma_start3A_343 = arith.constant 6 : i32
    %dma_start3A_344 = arith.constant 0 : i32
    %dma_start3A_345 = arith.constant 0 : i32
    %dma_start3A_346 = tpu.memref_slice %arg10[%dma_start3A_342, %dma_start3A_344, %dma_start3A_345] : memref<7x128x128xf32, #tpu.memory_space<vmem>> -> memref<1x128x128xf32, #tpu.memory_space<vmem>>
    %dma_start3A_347 = tpu.memref_squeeze %dma_start3A_346 : memref<1x128x128xf32, #tpu.memory_space<vmem>> -> memref<128x128xf32, #tpu.memory_space<vmem>>
    %dma_start3A_348 = arith.constant 0 : i32
    %dma_start3A_349 = tpu.memref_slice %arg7[%add3A_328, %dma_start3A_348] : memref<16384x128xf32, #tpu.memory_space<hbm>> -> memref<128x128xf32, #tpu.memory_space<hbm>>
    %dma_start3A_350 = tpu.memref_slice %arg12[%dma_start3A_343] : memref<7x!tpu.dma_semaphore, #tpu.memory_space<semaphore_mem>> -> memref<1x!tpu.dma_semaphore, #tpu.memory_space<semaphore_mem>>
    %dma_start3A_351 = tpu.memref_squeeze %dma_start3A_350 : memref<1x!tpu.dma_semaphore, #tpu.memory_space<semaphore_mem>> -> memref<!tpu.dma_semaphore, #tpu.memory_space<semaphore_mem>>
    %dma_start3A_352 = arith.constant 0 : i32
    %dma_start3A_353 = tpu.memref_slice %arg7[%add3A_328, %dma_start3A_352] : memref<16384x128xf32, #tpu.memory_space<hbm>> -> memref<128x128xf32, #tpu.memory_space<hbm>>
    %dma_start3A_354 = arith.constant 0 : i32
    %dma_start3A_355 = arith.constant 0 : i32
    %dma_start3A_356 = tpu.memref_slice %arg10[%dma_start3A_342, %dma_start3A_354, %dma_start3A_355] : memref<7x128x128xf32, #tpu.memory_space<vmem>> -> memref<1x128x128xf32, #tpu.memory_space<vmem>>
    %dma_start3A_357 = tpu.memref_squeeze %dma_start3A_356 : memref<1x128x128xf32, #tpu.memory_space<vmem>> -> memref<128x128xf32, #tpu.memory_space<vmem>>
    tpu.enqueue_dma source(%dma_start3A_357 : memref<128x128xf32, #tpu.memory_space<vmem>>) target(%dma_start3A_353 : memref<128x128xf32, #tpu.memory_space<hbm>>) target_semaphore(%dma_start3A_351 : memref<!tpu.dma_semaphore, #tpu.memory_space<semaphore_mem>>)
    %add3A_358 = arith.constant 384 : i32
    %add3A_359 = arith.addi %mul3A_2, %add3A_358 : i32
    %dma_wait3A_360 = arith.constant 0 : i32
    %dma_wait3A_361 = arith.constant 0 : i32
    %dma_wait3A_362 = arith.constant 0 : i32
    %dma_wait3A_363 = arith.constant 0 : i32
    %dma_wait3A_364 = tpu.memref_slice %arg10[%dma_wait3A_360, %dma_wait3A_362, %dma_wait3A_363] : memref<7x128x128xf32, #tpu.memory_space<vmem>> -> memref<1x128x128xf32, #tpu.memory_space<vmem>>
    %dma_wait3A_365 = tpu.memref_squeeze %dma_wait3A_364 : memref<1x128x128xf32, #tpu.memory_space<vmem>> -> memref<128x128xf32, #tpu.memory_space<vmem>>
    %dma_wait3A_366 = arith.constant 384 : i32
    %dma_wait3A_367 = tpu.memref_slice %arg9[%dma_wait3A_366] : memref<512xi32, #tpu.memory_space<vmem>> -> memref<128xi32, #tpu.memory_space<vmem>>
    %dma_wait3A_368 = arith.constant 0 : i32
    %dma_wait3A_369 = arith.constant 0 : i32
    %dma_wait3A_370 = tpu.memref_slice %arg3[%dma_wait3A_368, %dma_wait3A_369] : memref<100000x128xf32, #tpu.memory_space<hbm>> -> memref<100000x128xf32, #tpu.memory_space<hbm>>
    %dma_wait3A_371 = tpu.memref_slice %arg11[%dma_wait3A_361] : memref<7x!tpu.dma_semaphore, #tpu.memory_space<semaphore_mem>> -> memref<1x!tpu.dma_semaphore, #tpu.memory_space<semaphore_mem>>
    %dma_wait3A_372 = tpu.memref_squeeze %dma_wait3A_371 : memref<1x!tpu.dma_semaphore, #tpu.memory_space<semaphore_mem>> -> memref<!tpu.dma_semaphore, #tpu.memory_space<semaphore_mem>>
    tpu.wait_indirect_dma semaphore(%dma_wait3A_372 : memref<!tpu.dma_semaphore, #tpu.memory_space<semaphore_mem>>) src(%dma_wait3A_370 : memref<100000x128xf32, #tpu.memory_space<hbm>>) dst(%dma_wait3A_365 : memref<128x128xf32, #tpu.memory_space<vmem>>)
    %dma_start3A_373 = arith.constant 0 : i32
    %dma_start3A_374 = arith.constant 0 : i32
    %dma_start3A_375 = arith.constant 0 : i32
    %dma_start3A_376 = arith.constant 0 : i32
    %dma_start3A_377 = tpu.memref_slice %arg10[%dma_start3A_373, %dma_start3A_375, %dma_start3A_376] : memref<7x128x128xf32, #tpu.memory_space<vmem>> -> memref<1x128x128xf32, #tpu.memory_space<vmem>>
    %dma_start3A_378 = tpu.memref_squeeze %dma_start3A_377 : memref<1x128x128xf32, #tpu.memory_space<vmem>> -> memref<128x128xf32, #tpu.memory_space<vmem>>
    %dma_start3A_379 = arith.constant 0 : i32
    %dma_start3A_380 = tpu.memref_slice %arg7[%add3A_359, %dma_start3A_379] : memref<16384x128xf32, #tpu.memory_space<hbm>> -> memref<128x128xf32, #tpu.memory_space<hbm>>
    %dma_start3A_381 = tpu.memref_slice %arg12[%dma_start3A_374] : memref<7x!tpu.dma_semaphore, #tpu.memory_space<semaphore_mem>> -> memref<1x!tpu.dma_semaphore, #tpu.memory_space<semaphore_mem>>
    %dma_start3A_382 = tpu.memref_squeeze %dma_start3A_381 : memref<1x!tpu.dma_semaphore, #tpu.memory_space<semaphore_mem>> -> memref<!tpu.dma_semaphore, #tpu.memory_space<semaphore_mem>>
    %dma_start3A_383 = arith.constant 0 : i32
    %dma_start3A_384 = tpu.memref_slice %arg7[%add3A_359, %dma_start3A_383] : memref<16384x128xf32, #tpu.memory_space<hbm>> -> memref<128x128xf32, #tpu.memory_space<hbm>>
    %dma_start3A_385 = arith.constant 0 : i32
    %dma_start3A_386 = arith.constant 0 : i32
    %dma_start3A_387 = tpu.memref_slice %arg10[%dma_start3A_373, %dma_start3A_385, %dma_start3A_386] : memref<7x128x128xf32, #tpu.memory_space<vmem>> -> memref<1x128x128xf32, #tpu.memory_space<vmem>>
    %dma_start3A_388 = tpu.memref_squeeze %dma_start3A_387 : memref<1x128x128xf32, #tpu.memory_space<vmem>> -> memref<128x128xf32, #tpu.memory_space<vmem>>
    tpu.enqueue_dma source(%dma_start3A_388 : memref<128x128xf32, #tpu.memory_space<vmem>>) target(%dma_start3A_384 : memref<128x128xf32, #tpu.memory_space<hbm>>) target_semaphore(%dma_start3A_382 : memref<!tpu.dma_semaphore, #tpu.memory_space<semaphore_mem>>)
    %dma_wait3A_389 = arith.constant 1 : i32
    %dma_wait3A_390 = arith.constant 1 : i32
    %dma_wait3A_391 = arith.constant 0 : i32
    %dma_wait3A_392 = arith.constant 0 : i32
    %dma_wait3A_393 = tpu.memref_slice %arg10[%dma_wait3A_389, %dma_wait3A_391, %dma_wait3A_392] : memref<7x128x128xf32, #tpu.memory_space<vmem>> -> memref<1x128x128xf32, #tpu.memory_space<vmem>>
    %dma_wait3A_394 = tpu.memref_squeeze %dma_wait3A_393 : memref<1x128x128xf32, #tpu.memory_space<vmem>> -> memref<128x128xf32, #tpu.memory_space<vmem>>
    %dma_wait3A_395 = arith.constant 0 : i32
    %dma_wait3A_396 = tpu.memref_slice %arg6[%add3A_173, %dma_wait3A_395] : memref<16384x128xf32, #tpu.memory_space<hbm>> -> memref<128x128xf32, #tpu.memory_space<hbm>>
    %dma_wait3A_397 = tpu.memref_slice %arg12[%dma_wait3A_390] : memref<7x!tpu.dma_semaphore, #tpu.memory_space<semaphore_mem>> -> memref<1x!tpu.dma_semaphore, #tpu.memory_space<semaphore_mem>>
    %dma_wait3A_398 = tpu.memref_squeeze %dma_wait3A_397 : memref<1x!tpu.dma_semaphore, #tpu.memory_space<semaphore_mem>> -> memref<!tpu.dma_semaphore, #tpu.memory_space<semaphore_mem>>
    %dma_wait3A_399 = arith.constant 0 : i32
    %dma_wait3A_400 = tpu.memref_slice %arg6[%add3A_173, %dma_wait3A_399] : memref<16384x128xf32, #tpu.memory_space<hbm>> -> memref<128x128xf32, #tpu.memory_space<hbm>>
    %dma_wait3A_401 = arith.constant 0 : i32
    %dma_wait3A_402 = arith.constant 0 : i32
    %dma_wait3A_403 = tpu.memref_slice %arg10[%dma_wait3A_389, %dma_wait3A_401, %dma_wait3A_402] : memref<7x128x128xf32, #tpu.memory_space<vmem>> -> memref<1x128x128xf32, #tpu.memory_space<vmem>>
    %dma_wait3A_404 = tpu.memref_squeeze %dma_wait3A_403 : memref<1x128x128xf32, #tpu.memory_space<vmem>> -> memref<128x128xf32, #tpu.memory_space<vmem>>
    tpu.wait_dma2 semaphore(%dma_wait3A_398 : memref<!tpu.dma_semaphore, #tpu.memory_space<semaphore_mem>>) src(%dma_wait3A_404 : memref<128x128xf32, #tpu.memory_space<vmem>>) dst(%dma_wait3A_400 : memref<128x128xf32, #tpu.memory_space<hbm>>)
    %dma_wait3A_405 = arith.constant 2 : i32
    %dma_wait3A_406 = arith.constant 2 : i32
    %dma_wait3A_407 = arith.constant 0 : i32
    %dma_wait3A_408 = arith.constant 0 : i32
    %dma_wait3A_409 = tpu.memref_slice %arg10[%dma_wait3A_405, %dma_wait3A_407, %dma_wait3A_408] : memref<7x128x128xf32, #tpu.memory_space<vmem>> -> memref<1x128x128xf32, #tpu.memory_space<vmem>>
    %dma_wait3A_410 = tpu.memref_squeeze %dma_wait3A_409 : memref<1x128x128xf32, #tpu.memory_space<vmem>> -> memref<128x128xf32, #tpu.memory_space<vmem>>
    %dma_wait3A_411 = arith.constant 0 : i32
    %dma_wait3A_412 = tpu.memref_slice %arg6[%add3A_204, %dma_wait3A_411] : memref<16384x128xf32, #tpu.memory_space<hbm>> -> memref<128x128xf32, #tpu.memory_space<hbm>>
    %dma_wait3A_413 = tpu.memref_slice %arg12[%dma_wait3A_406] : memref<7x!tpu.dma_semaphore, #tpu.memory_space<semaphore_mem>> -> memref<1x!tpu.dma_semaphore, #tpu.memory_space<semaphore_mem>>
    %dma_wait3A_414 = tpu.memref_squeeze %dma_wait3A_413 : memref<1x!tpu.dma_semaphore, #tpu.memory_space<semaphore_mem>> -> memref<!tpu.dma_semaphore, #tpu.memory_space<semaphore_mem>>
    %dma_wait3A_415 = arith.constant 0 : i32
    %dma_wait3A_416 = tpu.memref_slice %arg6[%add3A_204, %dma_wait3A_415] : memref<16384x128xf32, #tpu.memory_space<hbm>> -> memref<128x128xf32, #tpu.memory_space<hbm>>
    %dma_wait3A_417 = arith.constant 0 : i32
    %dma_wait3A_418 = arith.constant 0 : i32
    %dma_wait3A_419 = tpu.memref_slice %arg10[%dma_wait3A_405, %dma_wait3A_417, %dma_wait3A_418] : memref<7x128x128xf32, #tpu.memory_space<vmem>> -> memref<1x128x128xf32, #tpu.memory_space<vmem>>
    %dma_wait3A_420 = tpu.memref_squeeze %dma_wait3A_419 : memref<1x128x128xf32, #tpu.memory_space<vmem>> -> memref<128x128xf32, #tpu.memory_space<vmem>>
    tpu.wait_dma2 semaphore(%dma_wait3A_414 : memref<!tpu.dma_semaphore, #tpu.memory_space<semaphore_mem>>) src(%dma_wait3A_420 : memref<128x128xf32, #tpu.memory_space<vmem>>) dst(%dma_wait3A_416 : memref<128x128xf32, #tpu.memory_space<hbm>>)
    %dma_wait3A_421 = arith.constant 3 : i32
    %dma_wait3A_422 = arith.constant 3 : i32
    %dma_wait3A_423 = arith.constant 0 : i32
    %dma_wait3A_424 = arith.constant 0 : i32
    %dma_wait3A_425 = tpu.memref_slice %arg10[%dma_wait3A_421, %dma_wait3A_423, %dma_wait3A_424] : memref<7x128x128xf32, #tpu.memory_space<vmem>> -> memref<1x128x128xf32, #tpu.memory_space<vmem>>
    %dma_wait3A_426 = tpu.memref_squeeze %dma_wait3A_425 : memref<1x128x128xf32, #tpu.memory_space<vmem>> -> memref<128x128xf32, #tpu.memory_space<vmem>>
    %dma_wait3A_427 = arith.constant 0 : i32
    %dma_wait3A_428 = tpu.memref_slice %arg6[%add3A_235, %dma_wait3A_427] : memref<16384x128xf32, #tpu.memory_space<hbm>> -> memref<128x128xf32, #tpu.memory_space<hbm>>
    %dma_wait3A_429 = tpu.memref_slice %arg12[%dma_wait3A_422] : memref<7x!tpu.dma_semaphore, #tpu.memory_space<semaphore_mem>> -> memref<1x!tpu.dma_semaphore, #tpu.memory_space<semaphore_mem>>
    %dma_wait3A_430 = tpu.memref_squeeze %dma_wait3A_429 : memref<1x!tpu.dma_semaphore, #tpu.memory_space<semaphore_mem>> -> memref<!tpu.dma_semaphore, #tpu.memory_space<semaphore_mem>>
    %dma_wait3A_431 = arith.constant 0 : i32
    %dma_wait3A_432 = tpu.memref_slice %arg6[%add3A_235, %dma_wait3A_431] : memref<16384x128xf32, #tpu.memory_space<hbm>> -> memref<128x128xf32, #tpu.memory_space<hbm>>
    %dma_wait3A_433 = arith.constant 0 : i32
    %dma_wait3A_434 = arith.constant 0 : i32
    %dma_wait3A_435 = tpu.memref_slice %arg10[%dma_wait3A_421, %dma_wait3A_433, %dma_wait3A_434] : memref<7x128x128xf32, #tpu.memory_space<vmem>> -> memref<1x128x128xf32, #tpu.memory_space<vmem>>
    %dma_wait3A_436 = tpu.memref_squeeze %dma_wait3A_435 : memref<1x128x128xf32, #tpu.memory_space<vmem>> -> memref<128x128xf32, #tpu.memory_space<vmem>>
    tpu.wait_dma2 semaphore(%dma_wait3A_430 : memref<!tpu.dma_semaphore, #tpu.memory_space<semaphore_mem>>) src(%dma_wait3A_436 : memref<128x128xf32, #tpu.memory_space<vmem>>) dst(%dma_wait3A_432 : memref<128x128xf32, #tpu.memory_space<hbm>>)
    %dma_wait3A_437 = arith.constant 4 : i32
    %dma_wait3A_438 = arith.constant 4 : i32
    %dma_wait3A_439 = arith.constant 0 : i32
    %dma_wait3A_440 = arith.constant 0 : i32
    %dma_wait3A_441 = tpu.memref_slice %arg10[%dma_wait3A_437, %dma_wait3A_439, %dma_wait3A_440] : memref<7x128x128xf32, #tpu.memory_space<vmem>> -> memref<1x128x128xf32, #tpu.memory_space<vmem>>
    %dma_wait3A_442 = tpu.memref_squeeze %dma_wait3A_441 : memref<1x128x128xf32, #tpu.memory_space<vmem>> -> memref<128x128xf32, #tpu.memory_space<vmem>>
    %dma_wait3A_443 = arith.constant 0 : i32
    %dma_wait3A_444 = tpu.memref_slice %arg7[%add3A_266, %dma_wait3A_443] : memref<16384x128xf32, #tpu.memory_space<hbm>> -> memref<128x128xf32, #tpu.memory_space<hbm>>
    %dma_wait3A_445 = tpu.memref_slice %arg12[%dma_wait3A_438] : memref<7x!tpu.dma_semaphore, #tpu.memory_space<semaphore_mem>> -> memref<1x!tpu.dma_semaphore, #tpu.memory_space<semaphore_mem>>
    %dma_wait3A_446 = tpu.memref_squeeze %dma_wait3A_445 : memref<1x!tpu.dma_semaphore, #tpu.memory_space<semaphore_mem>> -> memref<!tpu.dma_semaphore, #tpu.memory_space<semaphore_mem>>
    %dma_wait3A_447 = arith.constant 0 : i32
    %dma_wait3A_448 = tpu.memref_slice %arg7[%add3A_266, %dma_wait3A_447] : memref<16384x128xf32, #tpu.memory_space<hbm>> -> memref<128x128xf32, #tpu.memory_space<hbm>>
    %dma_wait3A_449 = arith.constant 0 : i32
    %dma_wait3A_450 = arith.constant 0 : i32
    %dma_wait3A_451 = tpu.memref_slice %arg10[%dma_wait3A_437, %dma_wait3A_449, %dma_wait3A_450] : memref<7x128x128xf32, #tpu.memory_space<vmem>> -> memref<1x128x128xf32, #tpu.memory_space<vmem>>
    %dma_wait3A_452 = tpu.memref_squeeze %dma_wait3A_451 : memref<1x128x128xf32, #tpu.memory_space<vmem>> -> memref<128x128xf32, #tpu.memory_space<vmem>>
    tpu.wait_dma2 semaphore(%dma_wait3A_446 : memref<!tpu.dma_semaphore, #tpu.memory_space<semaphore_mem>>) src(%dma_wait3A_452 : memref<128x128xf32, #tpu.memory_space<vmem>>) dst(%dma_wait3A_448 : memref<128x128xf32, #tpu.memory_space<hbm>>)
    %dma_wait3A_453 = arith.constant 5 : i32
    %dma_wait3A_454 = arith.constant 5 : i32
    %dma_wait3A_455 = arith.constant 0 : i32
    %dma_wait3A_456 = arith.constant 0 : i32
    %dma_wait3A_457 = tpu.memref_slice %arg10[%dma_wait3A_453, %dma_wait3A_455, %dma_wait3A_456] : memref<7x128x128xf32, #tpu.memory_space<vmem>> -> memref<1x128x128xf32, #tpu.memory_space<vmem>>
    %dma_wait3A_458 = tpu.memref_squeeze %dma_wait3A_457 : memref<1x128x128xf32, #tpu.memory_space<vmem>> -> memref<128x128xf32, #tpu.memory_space<vmem>>
    %dma_wait3A_459 = arith.constant 0 : i32
    %dma_wait3A_460 = tpu.memref_slice %arg7[%add3A_297, %dma_wait3A_459] : memref<16384x128xf32, #tpu.memory_space<hbm>> -> memref<128x128xf32, #tpu.memory_space<hbm>>
    %dma_wait3A_461 = tpu.memref_slice %arg12[%dma_wait3A_454] : memref<7x!tpu.dma_semaphore, #tpu.memory_space<semaphore_mem>> -> memref<1x!tpu.dma_semaphore, #tpu.memory_space<semaphore_mem>>
    %dma_wait3A_462 = tpu.memref_squeeze %dma_wait3A_461 : memref<1x!tpu.dma_semaphore, #tpu.memory_space<semaphore_mem>> -> memref<!tpu.dma_semaphore, #tpu.memory_space<semaphore_mem>>
    %dma_wait3A_463 = arith.constant 0 : i32
    %dma_wait3A_464 = tpu.memref_slice %arg7[%add3A_297, %dma_wait3A_463] : memref<16384x128xf32, #tpu.memory_space<hbm>> -> memref<128x128xf32, #tpu.memory_space<hbm>>
    %dma_wait3A_465 = arith.constant 0 : i32
    %dma_wait3A_466 = arith.constant 0 : i32
    %dma_wait3A_467 = tpu.memref_slice %arg10[%dma_wait3A_453, %dma_wait3A_465, %dma_wait3A_466] : memref<7x128x128xf32, #tpu.memory_space<vmem>> -> memref<1x128x128xf32, #tpu.memory_space<vmem>>
    %dma_wait3A_468 = tpu.memref_squeeze %dma_wait3A_467 : memref<1x128x128xf32, #tpu.memory_space<vmem>> -> memref<128x128xf32, #tpu.memory_space<vmem>>
    tpu.wait_dma2 semaphore(%dma_wait3A_462 : memref<!tpu.dma_semaphore, #tpu.memory_space<semaphore_mem>>) src(%dma_wait3A_468 : memref<128x128xf32, #tpu.memory_space<vmem>>) dst(%dma_wait3A_464 : memref<128x128xf32, #tpu.memory_space<hbm>>)
    %dma_wait3A_469 = arith.constant 6 : i32
    %dma_wait3A_470 = arith.constant 6 : i32
    %dma_wait3A_471 = arith.constant 0 : i32
    %dma_wait3A_472 = arith.constant 0 : i32
    %dma_wait3A_473 = tpu.memref_slice %arg10[%dma_wait3A_469, %dma_wait3A_471, %dma_wait3A_472] : memref<7x128x128xf32, #tpu.memory_space<vmem>> -> memref<1x128x128xf32, #tpu.memory_space<vmem>>
    %dma_wait3A_474 = tpu.memref_squeeze %dma_wait3A_473 : memref<1x128x128xf32, #tpu.memory_space<vmem>> -> memref<128x128xf32, #tpu.memory_space<vmem>>
    %dma_wait3A_475 = arith.constant 0 : i32
    %dma_wait3A_476 = tpu.memref_slice %arg7[%add3A_328, %dma_wait3A_475] : memref<16384x128xf32, #tpu.memory_space<hbm>> -> memref<128x128xf32, #tpu.memory_space<hbm>>
    %dma_wait3A_477 = tpu.memref_slice %arg12[%dma_wait3A_470] : memref<7x!tpu.dma_semaphore, #tpu.memory_space<semaphore_mem>> -> memref<1x!tpu.dma_semaphore, #tpu.memory_space<semaphore_mem>>
    %dma_wait3A_478 = tpu.memref_squeeze %dma_wait3A_477 : memref<1x!tpu.dma_semaphore, #tpu.memory_space<semaphore_mem>> -> memref<!tpu.dma_semaphore, #tpu.memory_space<semaphore_mem>>
    %dma_wait3A_479 = arith.constant 0 : i32
    %dma_wait3A_480 = tpu.memref_slice %arg7[%add3A_328, %dma_wait3A_479] : memref<16384x128xf32, #tpu.memory_space<hbm>> -> memref<128x128xf32, #tpu.memory_space<hbm>>
    %dma_wait3A_481 = arith.constant 0 : i32
    %dma_wait3A_482 = arith.constant 0 : i32
    %dma_wait3A_483 = tpu.memref_slice %arg10[%dma_wait3A_469, %dma_wait3A_481, %dma_wait3A_482] : memref<7x128x128xf32, #tpu.memory_space<vmem>> -> memref<1x128x128xf32, #tpu.memory_space<vmem>>
    %dma_wait3A_484 = tpu.memref_squeeze %dma_wait3A_483 : memref<1x128x128xf32, #tpu.memory_space<vmem>> -> memref<128x128xf32, #tpu.memory_space<vmem>>
    tpu.wait_dma2 semaphore(%dma_wait3A_478 : memref<!tpu.dma_semaphore, #tpu.memory_space<semaphore_mem>>) src(%dma_wait3A_484 : memref<128x128xf32, #tpu.memory_space<vmem>>) dst(%dma_wait3A_480 : memref<128x128xf32, #tpu.memory_space<hbm>>)
    %dma_wait3A_485 = arith.constant 0 : i32
    %dma_wait3A_486 = arith.constant 0 : i32
    %dma_wait3A_487 = arith.constant 0 : i32
    %dma_wait3A_488 = arith.constant 0 : i32
    %dma_wait3A_489 = tpu.memref_slice %arg10[%dma_wait3A_485, %dma_wait3A_487, %dma_wait3A_488] : memref<7x128x128xf32, #tpu.memory_space<vmem>> -> memref<1x128x128xf32, #tpu.memory_space<vmem>>
    %dma_wait3A_490 = tpu.memref_squeeze %dma_wait3A_489 : memref<1x128x128xf32, #tpu.memory_space<vmem>> -> memref<128x128xf32, #tpu.memory_space<vmem>>
    %dma_wait3A_491 = arith.constant 0 : i32
    %dma_wait3A_492 = tpu.memref_slice %arg7[%add3A_359, %dma_wait3A_491] : memref<16384x128xf32, #tpu.memory_space<hbm>> -> memref<128x128xf32, #tpu.memory_space<hbm>>
    %dma_wait3A_493 = tpu.memref_slice %arg12[%dma_wait3A_486] : memref<7x!tpu.dma_semaphore, #tpu.memory_space<semaphore_mem>> -> memref<1x!tpu.dma_semaphore, #tpu.memory_space<semaphore_mem>>
    %dma_wait3A_494 = tpu.memref_squeeze %dma_wait3A_493 : memref<1x!tpu.dma_semaphore, #tpu.memory_space<semaphore_mem>> -> memref<!tpu.dma_semaphore, #tpu.memory_space<semaphore_mem>>
    %dma_wait3A_495 = arith.constant 0 : i32
    %dma_wait3A_496 = tpu.memref_slice %arg7[%add3A_359, %dma_wait3A_495] : memref<16384x128xf32, #tpu.memory_space<hbm>> -> memref<128x128xf32, #tpu.memory_space<hbm>>
    %dma_wait3A_497 = arith.constant 0 : i32
    %dma_wait3A_498 = arith.constant 0 : i32
    %dma_wait3A_499 = tpu.memref_slice %arg10[%dma_wait3A_485, %dma_wait3A_497, %dma_wait3A_498] : memref<7x128x128xf32, #tpu.memory_space<vmem>> -> memref<1x128x128xf32, #tpu.memory_space<vmem>>
    %dma_wait3A_500 = tpu.memref_squeeze %dma_wait3A_499 : memref<1x128x128xf32, #tpu.memory_space<vmem>> -> memref<128x128xf32, #tpu.memory_space<vmem>>
    tpu.wait_dma2 semaphore(%dma_wait3A_494 : memref<!tpu.dma_semaphore, #tpu.memory_space<semaphore_mem>>) src(%dma_wait3A_500 : memref<128x128xf32, #tpu.memory_space<vmem>>) dst(%dma_wait3A_496 : memref<128x128xf32, #tpu.memory_space<hbm>>)
    return
  }
}

module attributes {stable_mosaic.version = 14 : i64} {
  func.func @_mlp_body(%arg0: i32, %arg1: memref<8192x128xf32, #tpu.memory_space<vmem>>, %arg2: memref<8192x128xf32, #tpu.memory_space<vmem>>, %arg3: memref<128x128xbf16, #tpu.memory_space<vmem>>, %arg4: memref<128x128xbf16, #tpu.memory_space<vmem>>, %arg5: memref<128x1xf32, #tpu.memory_space<vmem>>, %arg6: memref<1x128xf32, #tpu.memory_space<vmem>>, %arg7: memref<1x1xf32, #tpu.memory_space<vmem>>, %arg8: memref<1x8192xf32, #tpu.memory_space<vmem>>) attributes {dimension_semantics = [#tpu.dimension_semantics<arbitrary>], iteration_bounds = array<i64: 2>, scalar_prefetch = 0 : i64, scratch_operands = 0 : i64, tpu.core_type = #tpu.core_type<tc>, window_params = [{transform_indices = @transform_0, window_bounds = array<i64: 8192, 128>}, {transform_indices = @transform_1, window_bounds = array<i64: 8192, 128>}, {pipeline_mode = #tpu.pipeline_mode<synchronous>, transform_indices = @transform_2, window_bounds = array<i64: 128, 128>}, {pipeline_mode = #tpu.pipeline_mode<synchronous>, transform_indices = @transform_3, window_bounds = array<i64: 128, 128>}, {pipeline_mode = #tpu.pipeline_mode<synchronous>, transform_indices = @transform_4, window_bounds = array<i64: 128, 1>}, {pipeline_mode = #tpu.pipeline_mode<synchronous>, transform_indices = @transform_5, window_bounds = array<i64: 1, 128>}, {pipeline_mode = #tpu.pipeline_mode<synchronous>, transform_indices = @transform_6, window_bounds = array<i64: 1, 1>}, {transform_indices = @transform_7, window_bounds = array<i64: 1, 8192>}]} {
    %get3A = arith.constant 0 : index
    %get3A_0 = arith.constant 0 : index
    %get3A_1 = vector.load %arg1[%get3A, %get3A_0] : memref<8192x128xf32, #tpu.memory_space<vmem>>, vector<8192x128xf32>
    %convert_element_type3A = arith.truncf %get3A_1 : vector<8192x128xf32> to vector<8192x128xbf16>
    %get3A_2 = arith.constant 0 : index
    %get3A_3 = arith.constant 0 : index
    %get3A_4 = vector.load %arg2[%get3A_2, %get3A_3] : memref<8192x128xf32, #tpu.memory_space<vmem>>, vector<8192x128xf32>
    %convert_element_type3A_5 = arith.truncf %get3A_4 : vector<8192x128xf32> to vector<8192x128xbf16>
    %get3A_6 = arith.constant 0 : index
    %get3A_7 = arith.constant 0 : index
    %get3A_8 = vector.load %arg3[%get3A_6, %get3A_7] : memref<128x128xbf16, #tpu.memory_space<vmem>>, vector<128x128xbf16>
    %dot_general3A = arith.constant dense<0.000000e+00> : vector<128x8192xf32>
    %dot_general3A_9 = tpu.matmul %get3A_8, %convert_element_type3A, %dot_general3A {dimension_numbers = #tpu.dot_dimension_numbers<[1], [1], [0], [0], [0, 0, 1, 0], [], []>, transpose_lhs_hint = false} : vector<128x128xbf16>, vector<8192x128xbf16>, vector<128x8192xf32> -> vector<128x8192xf32>
    %get3A_10 = arith.constant 0 : index
    %get3A_11 = arith.constant 0 : index
    %get3A_12 = vector.load %arg4[%get3A_10, %get3A_11] : memref<128x128xbf16, #tpu.memory_space<vmem>>, vector<128x128xbf16>
    %dot_general3A_13 = arith.constant dense<0.000000e+00> : vector<128x8192xf32>
    %dot_general3A_14 = tpu.matmul %get3A_12, %convert_element_type3A_5, %dot_general3A_13 {dimension_numbers = #tpu.dot_dimension_numbers<[1], [1], [0], [0], [0, 0, 1, 0], [], []>, transpose_lhs_hint = false} : vector<128x128xbf16>, vector<8192x128xbf16>, vector<128x8192xf32> -> vector<128x8192xf32>
    %add3A = arith.addf %dot_general3A_9, %dot_general3A_14 : vector<128x8192xf32>
    %get3A_15 = arith.constant 0 : index
    %get3A_16 = arith.constant 0 : index
    %get3A_17 = vector.load %arg5[%get3A_15, %get3A_16] : memref<128x1xf32, #tpu.memory_space<vmem>>, vector<128x1xf32>
    %add3A_18 = vector.broadcast %get3A_17 : vector<128x1xf32> to vector<128x8192xf32>
    %add3A_19 = arith.addf %add3A, %add3A_18 : vector<128x8192xf32>
    %max3A = arith.constant 0.000000e+00 : f32
    %max3A_20 = vector.broadcast %max3A : f32 to vector<128x8192xf32>
    %max3A_21 = arith.maximumf %add3A_19, %max3A_20 : vector<128x8192xf32>
    %get3A_22 = arith.constant 0 : index
    %get3A_23 = arith.constant 0 : index
    %get3A_24 = vector.load %arg6[%get3A_22, %get3A_23] : memref<1x128xf32, #tpu.memory_space<vmem>>, vector<1x128xf32>
    %dot_general3A_25 = arith.constant dense<0.000000e+00> : vector<1x8192xf32>
    %dot_general3A_26 = tpu.matmul %get3A_24, %max3A_21, %dot_general3A_25 {dimension_numbers = #tpu.dot_dimension_numbers<[1], [0], [0], [1], [0, 0, 1, 1], [], []>, transpose_lhs_hint = false} : vector<1x128xf32>, vector<128x8192xf32>, vector<1x8192xf32> -> vector<1x8192xf32>
    %get3A_27 = arith.constant 0 : index
    %get3A_28 = arith.constant 0 : index
    %get3A_29 = vector.load %arg7[%get3A_27, %get3A_28] : memref<1x1xf32, #tpu.memory_space<vmem>>, vector<1x1xf32>
    %get3A_30 = vector.extract %get3A_29[0, 0] : f32 from vector<1x1xf32>
    %add3A_31 = vector.broadcast %get3A_30 : f32 to vector<1x8192xf32>
    %add3A_32 = arith.addf %dot_general3A_26, %add3A_31 : vector<1x8192xf32>
    %swap3A = arith.constant 0 : index
    %swap3A_33 = arith.constant 0 : index
    %swap3A_34 = vector.load %arg8[%swap3A, %swap3A_33] : memref<1x8192xf32, #tpu.memory_space<vmem>>, vector<1x8192xf32>
    tpu.vector_store %arg8[%swap3A, %swap3A_33], %add3A_32 {strides = array<i32>} : memref<1x8192xf32, #tpu.memory_space<vmem>>, vector<1x8192xf32>,
    return
  }
  func.func @transform_0(%arg0: i32) -> (i32, i32) {
    %c0_i32 = arith.constant 0 : i32
    %c0_i32_0 = arith.constant 0 : i32
    return %arg0, %c0_i32 : i32, i32
  }
  func.func @transform_1(%arg0: i32) -> (i32, i32) {
    %c0_i32 = arith.constant 0 : i32
    %c0_i32_0 = arith.constant 0 : i32
    return %arg0, %c0_i32 : i32, i32
  }
  func.func @transform_2(%arg0: i32) -> (i32, i32) {
    %c0_i32 = arith.constant 0 : i32
    %c0_i32_0 = arith.constant 0 : i32
    %c0_i32_1 = arith.constant 0 : i32
    return %c0_i32, %c0_i32_0 : i32, i32
  }
  func.func @transform_3(%arg0: i32) -> (i32, i32) {
    %c0_i32 = arith.constant 0 : i32
    %c0_i32_0 = arith.constant 0 : i32
    %c0_i32_1 = arith.constant 0 : i32
    return %c0_i32, %c0_i32_0 : i32, i32
  }
  func.func @transform_4(%arg0: i32) -> (i32, i32) {
    %c0_i32 = arith.constant 0 : i32
    %c0_i32_0 = arith.constant 0 : i32
    %c0_i32_1 = arith.constant 0 : i32
    return %c0_i32, %c0_i32_0 : i32, i32
  }
  func.func @transform_5(%arg0: i32) -> (i32, i32) {
    %c0_i32 = arith.constant 0 : i32
    %c0_i32_0 = arith.constant 0 : i32
    %c0_i32_1 = arith.constant 0 : i32
    return %c0_i32, %c0_i32_0 : i32, i32
  }
  func.func @transform_6(%arg0: i32) -> (i32, i32) {
    %c0_i32 = arith.constant 0 : i32
    %c0_i32_0 = arith.constant 0 : i32
    %c0_i32_1 = arith.constant 0 : i32
    return %c0_i32, %c0_i32_0 : i32, i32
  }
  func.func @transform_7(%arg0: i32) -> (i32, i32) {
    %c0_i32 = arith.constant 0 : i32
    %c0_i32_0 = arith.constant 0 : i32
    return %c0_i32, %arg0 : i32, i32
  }
}

</mosaic_0001>

<sc_bundles>
// kernel: kernel.4.cloned.1.call-start
scs
__scs_entry_jumppad:
0x0: {  	(pc) =	sbr.rel $0x88, $3  }
0x1: {  	(tag) =	ssettag $0x0;
	lr =	simm.s32 $0x1  }
0x2: {  	[smem:$0x3F99] =	sst lr;
	_ =	strace $0xD0000000  }
0x3: {  	_ = 	snop  }
0x4: {  	_ = 	snop  }
0x5: {  	_ = 	snop  }
0x6: {  	_ = 	snop  }
0x7: {  	_ = 	snop  }
__scs_overlays_trampoline_lowered:
0x8: {  	[smem:$0x3FA8] =	sst s0  }
0x9: {  	[smem:$0x3FA9] =	sst s1  }
0xa: {  	[smem:$0x3FAA] =	sst s2  }
0xb: {  	[smem:$0x3FAB] =	sst s3  }
0xc: {  	[smem:$0x3FAC] =	sst s4  }
0xd: {  	[smem:$0x3FAD] =	sst s5  }
0xe: {  	[smem:$0x3FAE] =	sst s6  }
0xf: {  	[smem:$0x3FAF] =	sst s7  }
0x10: {  	[smem:$0x3FB0] =	sst s8  }
0x11: {  	[smem:$0x3FB1] =	sst s9;
	s0 =	simm.s32 @!p0 $0x0  }
0x12: {  	s1 =	sld [smem:$0x3F97];
	s0 =	simm.s32 @p0 $0x1  }
0x13: {  	[smem:$0x3FB2] =	sst s0;
	s0 =	simm.s32 @!p1 $0x0  }
0x14: {  	s2 =	sld [smem:$0x3F96];
	s0 =	simm.s32 @p1 $0x1  }
0x15: {  	[smem:$0x3FB3] =	sst s0;
	s0 =	simm.s32 @!p2 $0x0  }
0x16: {  	s3 =	sld [smem:$0x3FDB];
	s0 =	simm.s32 @p2 $0x1  }
0x17: {  	s4 =	simm.s32 $0x1BF5;
	[smem:$0x3FB5] =	sst s0  }
0x18: {  	s0 =	sld [smem:$0x3F98];
	_ =	swait.ge [sflag:s4], $0x0  }
0x19: {  	s7 =	sld [smem:$0x3F99]  }
0x1a: {  	s8 =	sadd.s32 $0xFFFFE003, lr  }
0x1b: {  	s9 =	sadd.s32 $0xFFFFFEF7, lr;
	s5 =	simm.s32 $0xFFFFFFFF;
	p2 =	slt.u32 s8, $0xFFFFF086  }
0x1c: {  	p1 =	slt.u32 s9, $0xF7A;
	s5 =	simm.s32 @!p2 $0x0  }
0x1d: {  	s5 =	simm.s32 @p1 $0x1;
	p0 =	seq.s32 s7, s2  }
0x1e: {  	s7 =	smul.u32 @!p0 $0xF7A, s2;
	p2 =	seq.s32 @!p0 s5, $0x0  }
0x1f: {  	s9 =	smul.u32 $0xF7A, s1;
	s8 =	simm.s32 @!p0 $0x1BF5;
	p2 =	por !p2, p0  }
0x20: {  	[sflag:s8] =	ssyncset.s32 @!p0 $0xFFFFF086;
	s6 =	sadd.s32 @!p0 s3, s7;
	s7 =	simm.s32 @!p0 $0x108  }
0x21: {  	s3 =	sadd.s32 s3, s9;
	s6 =	sadd.s32 @!p0 $0x88, s6;
	s7 =	simm.s32 @p2 $0x1082  }
0x22: {  	[simem:s7], [sflag:s8] =	dma.local @!p0 [hbm:s6], $0xF7A  }
0x23: {  	s9 =	sor.u32 $0xD0000000, s2;
	s6 =	simm.s32 $0x108;
	_ =	swait.ge @!p0 [sflag:s8], $0x0  }
0x24: {  	s3 =	sadd.s32 $0x88, s3;
	s6 =	simm.s32 @!p1 $0x1082;
	[sflag:s4] =	ssyncset.s32 $0xFFFFF086  }
0x25: {  	[simem:s6], [sflag:s4] =	dma.local [hbm:s3], $0xF7A  }
0x26: {  	[smem:$0x3F99] =	sst s1;
	(tag) =	ssettag s2;
	_ =	strace s9  }
0x27: {  	s1 =	sld [smem:$0x3FA9]  }
0x28: {  	s2 =	sld [smem:$0x3FAA]  }
0x29: {  	s4 =	sld [smem:$0x3FAC]  }
0x2a: {  	p0 =	seq.s32 s5, $0x0;
	s5 =	sld [smem:$0x3FAD]  }
0x2b: {  	s6 =	sld [smem:$0x3FAE]  }
0x2c: {  	s7 =	sld [smem:$0x3FAF]  }
0x2d: {  	s3 =	simm.s32 $0x108;
	s8 =	sld [smem:$0x3FB0]  }
0x2e: {  	s3 =	simm.s32 @!p0 $0x1082;
	s9 =	sld [smem:$0x3FB1]  }
0x2f: {  	lr =	sadd.s32 s0, s3;
	s0 =	sld [smem:$0x3FA8]  }
0x30: {  	s3 =	sld [smem:$0x3FAB]  }
0x31: {  	[smem:$0x3FB4] =	sst s10  }
0x32: {  	s10 =	sld [smem:$0x3FB2];
	_ =	sdelay $0x3  }
0x33: {  	p0 =	seq.s32 s10, $0x1;
	s10 =	sld [smem:$0x3FB4];
	_ =	sdelay $0x3  }
0x34: {  	[smem:$0x3FB4] =	sst s10  }
0x35: {  	s10 =	sld [smem:$0x3FB3];
	_ =	sdelay $0x3  }
0x36: {  	p1 =	seq.s32 s10, $0x1;
	s10 =	sld [smem:$0x3FB4];
	_ =	sdelay $0x3  }
0x37: {  	[smem:$0x3FB4] =	sst s10  }
0x38: {  	s10 =	sld [smem:$0x3FB5]  }
0x39: {  	_ = 	snop;
	(pc) =	sbr.ind lr, $3  }
0x3a: {  	_ = 	snop  }
0x3b: {  	_ = 	snop  }
0x3c: {  	p2 =	seq.s32 s10, $0x1;
	s10 =	sld [smem:$0x3FB4]  }
0x3d: {  	_ =	shalt  }
0x3e: {  	_ =	shalt  }
0x3f: {  	_ =	shalt  }
0x40: {  	_ =	shalt  }
0x41: {  	_ =	shalt  }
0x42: {  	_ =	shalt  }
0x43: {  	_ =	shalt  }
0x44: {  	_ =	shalt  }
0x45: {  	_ =	shalt  }
0x46: {  	_ =	shalt  }
0x47: {  	_ =	shalt  }
0x48: {  	_ =	shalt  }
0x49: {  	_ =	shalt  }
0x4a: {  	_ =	shalt  }
0x4b: {  	_ =	shalt  }
0x4c: {  	_ =	shalt  }
0x4d: {  	_ =	shalt  }
0x4e: {  	_ =	shalt  }
0x4f: {  	_ =	shalt  }
0x50: {  	_ =	shalt  }
0x51: {  	_ =	shalt  }
0x52: {  	_ =	shalt  }
0x53: {  	_ =	shalt  }
0x54: {  	_ =	shalt  }
0x55: {  	_ =	shalt  }
0x56: {  	_ =	shalt  }
0x57: {  	_ =	shalt  }
0x58: {  	_ =	shalt  }
0x59: {  	_ =	shalt  }
0x5a: {  	_ =	shalt  }
0x5b: {  	_ =	shalt  }
0x5c: {  	_ =	shalt  }
0x5d: {  	_ =	shalt  }
0x5e: {  	_ =	shalt  }
0x5f: {  	_ =	shalt  }
0x60: {  	_ =	shalt  }
0x61: {  	_ =	shalt  }
0x62: {  	_ =	shalt  }
0x63: {  	_ =	shalt  }
0x64: {  	_ =	shalt  }
0x65: {  	_ =	shalt  }
0x66: {  	_ =	shalt  }
0x67: {  	_ =	shalt  }
0x68: {  	_ =	shalt  }
0x69: {  	_ =	shalt  }
0x6a: {  	_ =	shalt  }
0x6b: {  	_ =	shalt  }
0x6c: {  	_ =	shalt  }
0x6d: {  	_ =	shalt  }
0x6e: {  	_ =	shalt  }
0x6f: {  	_ =	shalt  }
0x70: {  	_ =	shalt  }
0x71: {  	_ =	shalt  }
0x72: {  	_ =	shalt  }
0x73: {  	_ =	shalt  }
0x74: {  	_ =	shalt  }
0x75: {  	_ =	shalt  }
0x76: {  	_ =	shalt  }
0x77: {  	_ =	shalt  }
0x78: {  	_ =	shalt  }
0x79: {  	_ =	shalt  }
0x7a: {  	_ =	shalt  }
0x7b: {  	_ =	shalt  }
0x7c: {  	_ =	shalt  }
0x7d: {  	_ =	shalt  }
0x7e: {  	_ =	shalt  }
0x7f: {  	_ =	shalt  }
0x80: {  	_ =	shalt  }
0x81: {  	_ =	shalt  }
0x82: {  	_ =	shalt  }
0x83: {  	_ =	shalt  }
0x84: {  	_ =	shalt  }
0x85: {  	_ =	shalt  }
0x86: {  	_ =	shalt  }
0x87: {  	_ =	shalt  }
.Lfunc_end0:
.L_simem_size_0:
called_computation_lowered:
.L_overlay_start_0:
0x88: {  	s2 =	sld [smem:$0x3FD9]  }
0x89: {  	s3 =	sld [smem:$0x3FFE];
	_ =	sdelay $0x1  }
0x8a: {  	s1 =	srdreg.scid  }
0x8b: {  	s0 =	sand.u32 $0x1, s1  }
0x8c: {  	s17 =	sshll.u32 s0, $0xA;
	s2 =	sadd.s32 s3, s2  }
0x8d: {  	s2 =	sadd.s32 s2, s17  }
0x8e: {  	[smem:$0x3FC0] =	sst s2  }
0x8f: {  	_ = 	snop  }
0x90: {  	s2 =	sld [smem:$0x3FC9]  }
0x91: {  	s18 =	sld [smem:$0x3FC8]  }
0x92: {  	s4 =	sld [smem:$0x3FC7]  }
0x93: {  	s5 =	sld [smem:$0x3FC6];
	(tm) =	ssettm $0x1  }
0x94: {  	s6 =	sld [smem:$0x3FFB];
	_ =	sdelay $0x3  }
0x95: {  	_ =	strace s6  }
0x96: {  	s6 =	sld [smem:$0x3FFC];
	_ =	sdelay $0x3  }
0x97: {  	_ =	strace s6  }
0x98: {  	s6 =	sld [smem:$0x3FFD];
	_ =	sdelay $0x3  }
0x99: {  	_ =	strace s6  }
0x9a: {  	_ =	strace $0x8FFFFFFF  }
0x9b: {  	s19 =	sld [smem:$0x3FDB];
	_ =	sdelay $0x1  }
0x9c: {  	s7 =	simm.s32 $_scs_section_size  }
0x9d: {  	s8 =	simm.s32 $_size__tile_overlayer_lowered;
	s9 =	simm.s32 $_tile_overlayer_lowered  }
0x9e: {  	s22 =	simm.s32 $0x1BFF;
	s21 =	sshll.u32 s9, $0x1;
	s6 =	sadd.s32 s7, s19  }
0x9f: {  	s10 =	simm.s32 $0x0;
	s20 =	sshll.u32 s8, $0x1;
	s8 =	sadd.s32 s21, s6  }
0xa0: {  	[timem:s10], [sflag:s22] =	dma.local [hbm:s8], s20  }
0xa1: {  	_ =	swait.ge [sflag:s22], s20  }
0xa2: {  	s7 =	ssub.s32 $0x0, s20;
	[sflag:s22] =	ssyncset.done $0x0  }
0xa3: {  	[sflag:s22] =	ssyncadd.s32 s7;
	_ =	sdelay $0x1  }
0xa4: {  	s23 =	simm.s32 $0x1B8B  }
0xa5: {  	_ =	swait.ge [sflag:s23], $0x1  }
0xa6: {  	[sflag:s23] =	ssyncset.done $0x0  }
0xa7: {  	s25 =	simm.s32 $0x1B8E;
	s24 =	sld [smem:$0x3FFE];
	[sflag:s23] =	ssyncadd.s32 $0xFFFFFFFF  }
0xa8: {  	s26 =	simm.s32 $execute0_lowered;
	[smem:$0x3FD2] =	sst s25  }
0xa9: {  	s8 =	sshll.u32 s26, $0x1;
	_ =	strace $0x80000046;
	[dreg:$0x1] =	wrdreg $0xFFFFFFFF  }
0xaa: {  	s28 =	simm.s32 $_size_execute0_lowered;
	s6 =	sadd.s32 s6, s8;
	[dreg:$0x0] =	wrdreg $0x0  }
0xab: {  	s8 =	sshll.u32 s28, $0x1;
	[dreg:$0x2] =	wrdreg s6  }
0xac: {  	[dreg:$0x3] =	wrdreg s8  }
0xad: {  	[dreg:$0x4] =	wrdreg $0xC0  }
0xae: {  	_ =	task [dreg:s10], $0x5FFFF  }
0xaf: {  	[dreg:$0x1] =	wrdreg $0xFFFFFFFF  }
0xb0: {  	[dreg:$0x0] =	wrdreg $0x60  }
0xb1: {  	[dreg:$0x2] =	wrdreg s4  }
0xb2: {  	[dreg:$0x3] =	wrdreg s5  }
0xb3: {  	[dreg:$0x4] =	wrdreg s2  }
0xb4: {  	[dreg:$0x5] =	wrdreg s18  }
0xb5: {  	[dreg:$0x6] =	wrdreg s24  }
0xb6: {  	[dreg:$0x7] =	wrdreg $0x9  }
0xb7: {  	_ =	task.clear_ibuf [dreg:s10], $0x8FFFF;
	_ =	strace $0x90000046  }
0xb8: {  	s29 =	simm.s32 $0x9;
	_ =	strace $0x80000048  }
0xb9: {  	_ =	swait.ge [sflag:s29], $0x1  }
0xba: {  	[sflag:s29] =	ssyncadd.s32 $0xFFFFFFFF  }
0xbb: {  	_ =	strace $0x90000048  }
0xbc: {  	_ =	sfence  }
0xbd: {  	s30 =	sld [smem:$0x0];
	_ =	sdelay $0x2  }
0xbe: {  	s31 =	sshll.u32 s1, $0xD;
	s1 =	sshrl.u32 s1, $0x2  }
0xbf: {  	s3 =	sand.u32 $0x4000, s31;
	s1 =	sadd.s32 s1, s30  }
0xc0: {  	s0 =	sor.u32 s3, s0;
	s1 =	sshll.u32 s1, $0x11  }
0xc1: {  	s0 =	sor.u32 s1, s0  }
0xc2: {  	s0 =	sadd.s32 $0x8F2B, s0  }
0xc3: {  	[sflag:s0] =	ssyncadd.remote.s32 $0x1  }
0xc4: {  	_ =	sfence.sel $0xFFFF  }
0xc5: {  	[dreg:$0x0] =	wrdreg $0xFFFFFFFF;
	(pc) =	sbr.abs _section_cstart, $3  }
0xc6: {  	[dreg:$0x1] =	wrdreg $0xFFFFFFFF  }
0xc7: {  	_ =	task.clear_ibuf [dreg:s10], $0x2FFFF;
	_ =	strace $0x9FFFFFFF  }
0xc8: {  	(tm) =	ssettm $0x7FFFFFFF  }
0xc9: {  	_ =	shalt  }
tec
execute0_lowered:
.L_overlay_start_1:
0x0: {  	(tag) =	ssettag $0x1  }
0x1: {  	s5 =	rddreg [dreg:$0x0]  }
0x2: {  	s3 =	rddreg [dreg:$0x1]  }
0x3: {  	s0 =	rddreg [dreg:$0x2]  }
0x4: {  	s1 =	srdreg.scid;
	s4 =	rddreg [dreg:$0x3]  }
0x5: {  	s2 =	stileid.u32;
	s6 =	rddreg [dreg:$0x4];
	s31 =	simm.s32 $0xF  }
0x6: {  	s30 =	simm.s32 $0x10;
	s19 =	simm.s32 $0x8400;
	s17 =	simm.s32 $0xC400  }
0x7: {  	s28 =	simm.s32 $0x2;
	s20 =	simm.s32 $0x6;
	s18 =	simm.s32 $0x7  }
0x8: {  	p0 =	por $0x0, $0x0;
	s1 =	sand.u32 $0x1, s1;
	s7 =	sshll.u32 s2, $0xA  }
0x9: {  	s2 =	simm.s32 $0x0;
	s9 =	sadd.s32 $0x1400, s6;
	s6 =	sadd.s32 $0x41400, s6  }
0xa: {  	s8 =	sshll.u32 s1, $0x9;
	[smem:$0x7FF] =	sst s2;
	s1 =	ssub.s32 $0x2, s1  }
0xb: {  	s7 =	sor.u32 s8, s7;
	_ =	strace $0x80000047;
	s14 =	sshrl.u32 s1, $0x1  }
0xc: {  	s8 =	sshrl.u32 s7, $0x3;
	s22 =	sshll.u32 s7, $0x4;
	s1 =	ssub.s32 s1, s14  }
0xd: {  	s14 =	simm.s32 $0xA;
	s0 =	sadd.s32 s0, s8;
	s21 =	sadd.s32 s4, s8  }
0xe: {  	s23 =	sadd.s32 s9, s22;
	s7 =	sor.u32 $0x800, s22;
	s25 =	sor.u32 $0x1000, s22  }
0xf: {  	s10 =	sor.u32 $0x1800, s22;
	s11 =	sadd.s32 s6, s22;
	[dreg:$0x6] =	wrdreg s0  }
0x10: {  	s16 =	smax.u32 s1, $0x1;
	s22 =	simm.s32 $0x100;
	[dreg:$0x7] =	wrdreg s21  }
0x11: {  	s8 =	simm.s32 $0x1;
	s4 =	simm.s32 $0x8;
	[dreg:$0x8] =	wrdreg s23  }
0x12: {  	s24 =	sadd.s32 s9, s7;
	s26 =	sadd.s32 s9, s25;
	[dreg:$0xc] =	wrdreg s11  }
0x13: {  	s9 =	sadd.s32 s9, s10;
	s12 =	sadd.s32 s6, s7;
	[dreg:$0x10] =	wrdreg s22  }
0x14: {  	s13 =	sadd.s32 s6, s25;
	s15 =	sadd.s32 s6, s10;
	[dreg:$0x9] =	wrdreg s24  }
0x15: {  	s25 =	simm.s32 $0x200;
	s21 =	simm.s32 $0x80;
	[dreg:$0xa] =	wrdreg s26  }
0x16: {  	s6 =	simm.s32 $0x400;
	s23 =	simm.s32 $0x180;
	[dreg:$0xb] =	wrdreg s9  }
0x17: {  	s22 =	simm.s32 $0x4400;
	s11 =	simm.s32 $0x18400;
	[dreg:$0xd] =	wrdreg s12  }
0x18: {  	p1 =	sne.s32 s16, $0x1;
	s29 =	sadd.s32 $0xFFFFFFFF, s16;
	[dreg:$0xe] =	wrdreg s13  }
0x19: {  	s16 =	simm.s32 $0x9;
	s10 =	simm.s32 $0xC;
	[dreg:$0xf] =	wrdreg s15  }
.Ltmp0:
0x1a: {  	s7 =	simm.s32 $0xE;
	[dreg:$0x11] =	wrdreg s23;
	(pc) =	sbr.rel @!p1 .LBB2_1-.Ltmp0, $4  }
0x1b: {  	s15 =	simm.s32 $0x10400;
	s24 =	simm.s32 $0x280;
	s13 =	simm.s32 $0x14400  }
0x1c: {  	s26 =	simm.s32 $0x300;
	s23 =	simm.s32 $0x5;
	s0 =	rddreg [dreg:$0x6]  }
0x1d: {  	s12 =	simm.s32 $0xB;
	s9 =	simm.s32 $0xD;
	[dreg:$0x12] =	wrdreg s24  }
0x1e: {  	[dreg:$0x13] =	wrdreg s26;
	s26 =	simm.s32 $0x3;
	s24 =	simm.s32 $0x4  }
0x1f: {  	[tilespmem:s2], [sflag:$0xF] =	stream.linear.gather [hbm4b:s0+s2], $0x200, $0x38;
	[tilespmem:$0x1C400] =	vst v63  }
0x20: {  	s1 =	rddreg [dreg:$0x7]  }
0x21: {  	[tilespmem:s25], [sflag:$0x10] =	stream.linear.gather [hbm4b:s1+s2], $0x200, $0x38;
	[tilespmem:$0x1C400] =	vst v63  }
0x22: {  	_ =	swait.ge [sflag:s31], $0x200  }
0x23: {  	[sflag:s31] =	ssyncset.done $0x0  }
0x24: {  	[sflag:s31] =	ssyncadd.s32 $0xFFFFFE00  }
0x25: {  	_ =	swait.ge [sflag:s30], $0x200  }
0x26: {  	[sflag:s30] =	ssyncset.done $0x0  }
0x27: {  	[sflag:s30] =	ssyncadd.s32 $0xFFFFFE00  }
0x28: {  	[tilespmem:s6], [sflag:$0x1] =	stream.indirect.gather [hbm4b:s5+s21], $0x80, s2, s21, $0xb8;
	[tilespmem:$0x1C400] =	vst v63  }
0x29: {  	_ = 	snop  }
0x2a: {  	[tilespmem:s22], [sflag:$0x2] =	stream.indirect.gather [hbm4b:s5+s21], $0x80, s21, s21, $0xb8;
	[tilespmem:$0x1C400] =	vst v63  }
0x2b: {  	s0 =	rddreg [dreg:$0x10]  }
0x2c: {  	[tilespmem:s19], [sflag:$0x3] =	stream.indirect.gather [hbm4b:s5+s21], $0x80, s0, s21, $0xb8;
	[tilespmem:$0x1C400] =	vst v63  }
0x2d: {  	s1 =	rddreg [dreg:$0x11]  }
0x2e: {  	[tilespmem:s17], [sflag:$0x4] =	stream.indirect.gather [hbm4b:s5+s21], $0x80, s1, s21, $0xb8;
	[tilespmem:$0x1C400] =	vst v63  }
0x2f: {  	_ = 	snop  }
0x30: {  	[tilespmem:s15], [sflag:$0x5] =	stream.indirect.gather [hbm4b:s3+s21], $0x80, s25, s21, $0xb8;
	[tilespmem:$0x1C400] =	vst v63  }
0x31: {  	s0 =	rddreg [dreg:$0x12]  }
0x32: {  	[tilespmem:s13], [sflag:$0x6] =	stream.indirect.gather [hbm4b:s3+s21], $0x80, s0, s21, $0xb8;
	[tilespmem:$0x1C400] =	vst v63  }
0x33: {  	s1 =	rddreg [dreg:$0x13]  }
0x34: {  	[tilespmem:s11], [sflag:$0x7] =	stream.indirect.gather [hbm4b:s3+s21], $0x80, s1, s21, $0xb8;
	[tilespmem:$0x1C400] =	vst v63  }
0x35: {  	_ =	swait.ge [sflag:s8], $0x4000  }
0x36: {  	[sflag:s8] =	ssyncset.done $0x0  }
0x37: {  	s1 =	rddreg [dreg:$0x8];
	[sflag:s8] =	ssyncadd.s32 $0xFFFFC000  }
0x38: {  	[hbm4b:s1+s2] =	stream.linear.scatter [tilespmem:s6], [sflag:$0x8], $0x4000, $0x38;
	[tilespmem:$0x1C400] =	vst v63  }
0x39: {  	_ =	swait.ge [sflag:s4], $0x4000  }
0x3a: {  	[sflag:s4] =	ssyncset.done $0x0  }
0x3b: {  	s1 =	simm.s32 $0x380;
	[sflag:s4] =	ssyncadd.s32 $0xFFFFC000  }
0x3c: {  	[tilespmem:s6], [sflag:$0x1] =	stream.indirect.gather [hbm4b:s3+s21], $0x80, s1, s21, $0xb8;
	[tilespmem:$0x1C400] =	vst v63  }
0x3d: {  	_ =	swait.ge [sflag:s28], $0x4000  }
0x3e: {  	[sflag:s28] =	ssyncset.done $0x0  }
0x3f: {  	s1 =	rddreg [dreg:$0x9];
	[sflag:s28] =	ssyncadd.s32 $0xFFFFC000  }
0x40: {  	[hbm4b:s1+s2] =	stream.linear.scatter [tilespmem:s22], [sflag:$0x9], $0x4000, $0x38;
	[tilespmem:$0x1C400] =	vst v63  }
0x41: {  	_ =	swait.ge [sflag:s26], $0x4000  }
0x42: {  	[sflag:s26] =	ssyncset.done $0x0  }
0x43: {  	s1 =	rddreg [dreg:$0xa];
	[sflag:s26] =	ssyncadd.s32 $0xFFFFC000  }
0x44: {  	[hbm4b:s1+s2] =	stream.linear.scatter [tilespmem:s19], [sflag:$0xA], $0x4000, $0x38;
	[tilespmem:$0x1C400] =	vst v63  }
0x45: {  	_ =	swait.ge [sflag:s24], $0x4000  }
0x46: {  	[sflag:s24] =	ssyncset.done $0x0  }
0x47: {  	s1 =	rddreg [dreg:$0xb];
	[sflag:s24] =	ssyncadd.s32 $0xFFFFC000  }
0x48: {  	[hbm4b:s1+s2] =	stream.linear.scatter [tilespmem:s17], [sflag:$0xB], $0x4000, $0x38;
	[tilespmem:$0x1C400] =	vst v63  }
0x49: {  	_ =	swait.ge [sflag:s23], $0x4000  }
0x4a: {  	[sflag:s23] =	ssyncset.done $0x0  }
0x4b: {  	s1 =	rddreg [dreg:$0xc];
	[sflag:s23] =	ssyncadd.s32 $0xFFFFC000  }
0x4c: {  	[hbm4b:s1+s2] =	stream.linear.scatter [tilespmem:s15], [sflag:$0xC], $0x4000, $0x38;
	[tilespmem:$0x1C400] =	vst v63  }
0x4d: {  	_ =	swait.ge [sflag:s20], $0x4000  }
0x4e: {  	[sflag:s20] =	ssyncset.done $0x0  }
0x4f: {  	s1 =	rddreg [dreg:$0xd];
	[sflag:s20] =	ssyncadd.s32 $0xFFFFC000  }
0x50: {  	[hbm4b:s1+s2] =	stream.linear.scatter [tilespmem:s13], [sflag:$0xD], $0x4000, $0x38;
	[tilespmem:$0x1C400] =	vst v63  }
0x51: {  	_ =	swait.ge [sflag:s18], $0x4000  }
0x52: {  	[sflag:s18] =	ssyncset.done $0x0  }
0x53: {  	s1 =	rddreg [dreg:$0xe];
	[sflag:s18] =	ssyncadd.s32 $0xFFFFC000  }
0x54: {  	[hbm4b:s1+s2] =	stream.linear.scatter [tilespmem:s11], [sflag:$0xE], $0x4000, $0x38;
	[tilespmem:$0x1C400] =	vst v63  }
0x55: {  	_ =	swait.ge [sflag:s8], $0x4000  }
0x56: {  	[sflag:s8] =	ssyncset.done $0x0  }
0x57: {  	s1 =	rddreg [dreg:$0xf];
	[sflag:s8] =	ssyncadd.s32 $0xFFFFC000  }
0x58: {  	[hbm4b:s1+s2] =	stream.linear.scatter [tilespmem:s6], [sflag:$0x8], $0x4000, $0x38;
	[tilespmem:$0x1C400] =	vst v63  }
0x59: {  	_ =	swait.ge [sflag:s16], $0x4000  }
0x5a: {  	[sflag:s16] =	ssyncset.done $0x0  }
0x5b: {  	[sflag:s16] =	ssyncadd.s32 $0xFFFFC000  }
0x5c: {  	_ =	swait.ge [sflag:s14], $0x4000  }
0x5d: {  	[sflag:s14] =	ssyncset.done $0x0  }
0x5e: {  	[sflag:s14] =	ssyncadd.s32 $0xFFFFC000  }
0x5f: {  	_ =	swait.ge [sflag:s12], $0x4000  }
0x60: {  	[sflag:s12] =	ssyncset.done $0x0  }
0x61: {  	[sflag:s12] =	ssyncadd.s32 $0xFFFFC000  }
0x62: {  	_ =	swait.ge [sflag:s10], $0x4000  }
0x63: {  	[sflag:s10] =	ssyncset.done $0x0  }
0x64: {  	[sflag:s10] =	ssyncadd.s32 $0xFFFFC000  }
0x65: {  	_ =	swait.ge [sflag:s9], $0x4000  }
0x66: {  	[sflag:s9] =	ssyncset.done $0x0  }
0x67: {  	p1 =	sne.s32 s29, $0x1;
	[sflag:s9] =	ssyncadd.s32 $0xFFFFC000  }
.Ltmp1:
0x68: {  	_ =	swait.ge [sflag:s7], $0x4000;
	(pc) =	sbr.rel @!p1 .LBB2_3-.Ltmp1, $4  }
0x69: {  	[sflag:s7] =	ssyncset.done $0x0  }
0x6a: {  	[sflag:s7] =	ssyncadd.s32 $0xFFFFC000  }
0x6b: {  	p0 =	por $0x1, $0x1;
	_ =	swait.ge [sflag:s4], $0x4000  }
0x6c: {  	s1 =	sadd.s32 $0xFFFFFFFF, s29;
	s0 =	rddreg [dreg:$0x6];
	[sflag:s4] =	ssyncset.done $0x0  }
.LBB2_4:
0x6d: {  	[sflag:s4] =	ssyncadd.s32 $0xFFFFC000  }
0x6e: {  	[tilespmem:s2], [sflag:$0xF] =	stream.linear.gather [hbm4b:s0+s2], $0x200, $0x38;
	[tilespmem:$0x1C400] =	vst v63  }
0x6f: {  	s29 =	rddreg [dreg:$0x7]  }
0x70: {  	[tilespmem:s25], [sflag:$0x10] =	stream.linear.gather [hbm4b:s29+s2], $0x200, $0x38;
	[tilespmem:$0x1C400] =	vst v63  }
0x71: {  	_ =	swait.ge [sflag:s31], $0x200  }
0x72: {  	[sflag:s31] =	ssyncset.done $0x0  }
0x73: {  	[sflag:s31] =	ssyncadd.s32 $0xFFFFFE00  }
0x74: {  	_ =	swait.ge [sflag:s30], $0x200  }
0x75: {  	[sflag:s30] =	ssyncset.done $0x0  }
0x76: {  	[sflag:s30] =	ssyncadd.s32 $0xFFFFFE00  }
0x77: {  	[tilespmem:s6], [sflag:$0x1] =	stream.indirect.gather [hbm4b:s5+s21], $0x80, s2, s21, $0xb8;
	[tilespmem:$0x1C400] =	vst v63  }
0x78: {  	_ = 	snop  }
0x79: {  	[tilespmem:s22], [sflag:$0x2] =	stream.indirect.gather [hbm4b:s5+s21], $0x80, s21, s21, $0xb8;
	[tilespmem:$0x1C400] =	vst v63  }
0x7a: {  	s0 =	rddreg [dreg:$0x10]  }
0x7b: {  	[tilespmem:s19], [sflag:$0x3] =	stream.indirect.gather [hbm4b:s5+s21], $0x80, s0, s21, $0xb8;
	[tilespmem:$0x1C400] =	vst v63  }
0x7c: {  	s29 =	rddreg [dreg:$0x11]  }
0x7d: {  	[tilespmem:s17], [sflag:$0x4] =	stream.indirect.gather [hbm4b:s5+s21], $0x80, s29, s21, $0xb8;
	[tilespmem:$0x1C400] =	vst v63  }
0x7e: {  	_ = 	snop  }
0x7f: {  	[tilespmem:s15], [sflag:$0x5] =	stream.indirect.gather [hbm4b:s3+s21], $0x80, s25, s21, $0xb8;
	[tilespmem:$0x1C400] =	vst v63  }
0x80: {  	s0 =	rddreg [dreg:$0x12]  }
0x81: {  	[tilespmem:s13], [sflag:$0x6] =	stream.indirect.gather [hbm4b:s3+s21], $0x80, s0, s21, $0xb8;
	[tilespmem:$0x1C400] =	vst v63  }
0x82: {  	s29 =	rddreg [dreg:$0x13]  }
0x83: {  	[tilespmem:s11], [sflag:$0x7] =	stream.indirect.gather [hbm4b:s3+s21], $0x80, s29, s21, $0xb8;
	[tilespmem:$0x1C400] =	vst v63  }
0x84: {  	_ =	swait.ge [sflag:s8], $0x4000  }
0x85: {  	[sflag:s8] =	ssyncset.done $0x0  }
0x86: {  	s29 =	rddreg [dreg:$0x8];
	[sflag:s8] =	ssyncadd.s32 $0xFFFFC000  }
0x87: {  	[hbm4b:s29+s2] =	stream.linear.scatter [tilespmem:s6], [sflag:$0x8], $0x4000, $0x38;
	[tilespmem:$0x1C400] =	vst v63  }
0x88: {  	_ =	swait.ge [sflag:s4], $0x4000  }
0x89: {  	[sflag:s4] =	ssyncset.done $0x0  }
0x8a: {  	s29 =	simm.s32 $0x380;
	[sflag:s4] =	ssyncadd.s32 $0xFFFFC000  }
0x8b: {  	[tilespmem:s6], [sflag:$0x1] =	stream.indirect.gather [hbm4b:s3+s21], $0x80, s29, s21, $0xb8;
	[tilespmem:$0x1C400] =	vst v63  }
0x8c: {  	_ =	swait.ge [sflag:s28], $0x4000  }
0x8d: {  	[sflag:s28] =	ssyncset.done $0x0  }
0x8e: {  	s29 =	rddreg [dreg:$0x9];
	[sflag:s28] =	ssyncadd.s32 $0xFFFFC000  }
0x8f: {  	[hbm4b:s29+s2] =	stream.linear.scatter [tilespmem:s22], [sflag:$0x9], $0x4000, $0x38;
	[tilespmem:$0x1C400] =	vst v63  }
0x90: {  	_ =	swait.ge [sflag:s26], $0x4000  }
0x91: {  	[sflag:s26] =	ssyncset.done $0x0  }
0x92: {  	s29 =	rddreg [dreg:$0xa];
	[sflag:s26] =	ssyncadd.s32 $0xFFFFC000  }
0x93: {  	[hbm4b:s29+s2] =	stream.linear.scatter [tilespmem:s19], [sflag:$0xA], $0x4000, $0x38;
	[tilespmem:$0x1C400] =	vst v63  }
0x94: {  	_ =	swait.ge [sflag:s24], $0x4000  }
0x95: {  	[sflag:s24] =	ssyncset.done $0x0  }
0x96: {  	s29 =	rddreg [dreg:$0xb];
	[sflag:s24] =	ssyncadd.s32 $0xFFFFC000  }
0x97: {  	[hbm4b:s29+s2] =	stream.linear.scatter [tilespmem:s17], [sflag:$0xB], $0x4000, $0x38;
	[tilespmem:$0x1C400] =	vst v63  }
0x98: {  	_ =	swait.ge [sflag:s23], $0x4000  }
0x99: {  	[sflag:s23] =	ssyncset.done $0x0  }
0x9a: {  	s29 =	rddreg [dreg:$0xc];
	[sflag:s23] =	ssyncadd.s32 $0xFFFFC000  }
0x9b: {  	[hbm4b:s29+s2] =	stream.linear.scatter [tilespmem:s15], [sflag:$0xC], $0x4000, $0x38;
	[tilespmem:$0x1C400] =	vst v63  }
0x9c: {  	_ =	swait.ge [sflag:s20], $0x4000  }
0x9d: {  	[sflag:s20] =	ssyncset.done $0x0  }
0x9e: {  	s29 =	rddreg [dreg:$0xd];
	[sflag:s20] =	ssyncadd.s32 $0xFFFFC000  }
0x9f: {  	[hbm4b:s29+s2] =	stream.linear.scatter [tilespmem:s13], [sflag:$0xD], $0x4000, $0x38;
	[tilespmem:$0x1C400] =	vst v63  }
0xa0: {  	_ =	swait.ge [sflag:s18], $0x4000  }
0xa1: {  	[sflag:s18] =	ssyncset.done $0x0  }
0xa2: {  	s29 =	rddreg [dreg:$0xe];
	[sflag:s18] =	ssyncadd.s32 $0xFFFFC000  }
0xa3: {  	[hbm4b:s29+s2] =	stream.linear.scatter [tilespmem:s11], [sflag:$0xE], $0x4000, $0x38;
	[tilespmem:$0x1C400] =	vst v63  }
0xa4: {  	_ =	swait.ge [sflag:s8], $0x4000  }
0xa5: {  	[sflag:s8] =	ssyncset.done $0x0  }
0xa6: {  	s29 =	rddreg [dreg:$0xf];
	[sflag:s8] =	ssyncadd.s32 $0xFFFFC000  }
0xa7: {  	[hbm4b:s29+s2] =	stream.linear.scatter [tilespmem:s6], [sflag:$0x8], $0x4000, $0x38;
	[tilespmem:$0x1C400] =	vst v63  }
0xa8: {  	_ =	swait.ge [sflag:s16], $0x4000  }
0xa9: {  	[sflag:s16] =	ssyncset.done $0x0  }
0xaa: {  	[sflag:s16] =	ssyncadd.s32 $0xFFFFC000  }
0xab: {  	_ =	swait.ge [sflag:s14], $0x4000  }
0xac: {  	[sflag:s14] =	ssyncset.done $0x0  }
0xad: {  	[sflag:s14] =	ssyncadd.s32 $0xFFFFC000  }
0xae: {  	_ =	swait.ge [sflag:s12], $0x4000  }
0xaf: {  	[sflag:s12] =	ssyncset.done $0x0  }
0xb0: {  	[sflag:s12] =	ssyncadd.s32 $0xFFFFC000  }
0xb1: {  	_ =	swait.ge [sflag:s10], $0x4000  }
0xb2: {  	[sflag:s10] =	ssyncset.done $0x0  }
0xb3: {  	[sflag:s10] =	ssyncadd.s32 $0xFFFFC000  }
0xb4: {  	_ =	swait.ge [sflag:s9], $0x4000  }
0xb5: {  	[sflag:s9] =	ssyncset.done $0x0  }
0xb6: {  	p1 =	sne.s32 s1, $0x1;
	[sflag:s9] =	ssyncadd.s32 $0xFFFFC000  }
.Ltmp2:
0xb7: {  	_ =	swait.ge [sflag:s7], $0x4000;
	(pc) =	sbr.rel @p1 .LBB2_4-.Ltmp2, $4  }
0xb8: {  	[sflag:s7] =	ssyncset.done $0x0  }
0xb9: {  	[sflag:s7] =	ssyncadd.s32 $0xFFFFC000  }
0xba: {  	_ =	swait.ge [sflag:s4], $0x4000  }
0xbb: {  	s1 =	sadd.s32 $0xFFFFFFFF, s1;
	s0 =	rddreg [dreg:$0x6];
	[sflag:s4] =	ssyncset.done $0x0  }
0xbc: {  	s29 =	simm.s32 $0x380  }
.LBB2_6:
0xbd: {  	[sflag:s4] =	ssyncadd.s32 @p0 $0xFFFFC000  }
0xbe: {  	[tilespmem:s2], [sflag:$0xF] =	stream.linear.gather [hbm4b:s0+s2], $0x200, $0x38;
	[tilespmem:$0x1C400] =	vst v63  }
0xbf: {  	s1 =	rddreg [dreg:$0x7]  }
0xc0: {  	[tilespmem:s25], [sflag:$0x10] =	stream.linear.gather [hbm4b:s1+s2], $0x200, $0x38;
	[tilespmem:$0x1C400] =	vst v63  }
0xc1: {  	_ =	swait.ge [sflag:s31], $0x200  }
0xc2: {  	[sflag:s31] =	ssyncset.done $0x0  }
0xc3: {  	[sflag:s31] =	ssyncadd.s32 $0xFFFFFE00  }
0xc4: {  	_ =	swait.ge [sflag:s30], $0x200  }
0xc5: {  	[sflag:s30] =	ssyncset.done $0x0  }
0xc6: {  	[sflag:s30] =	ssyncadd.s32 $0xFFFFFE00  }
0xc7: {  	[tilespmem:s6], [sflag:$0x1] =	stream.indirect.gather [hbm4b:s5+s21], $0x80, s2, s21, $0xb8;
	[tilespmem:$0x1C400] =	vst v63  }
0xc8: {  	_ = 	snop  }
0xc9: {  	[tilespmem:s22], [sflag:$0x2] =	stream.indirect.gather [hbm4b:s5+s21], $0x80, s21, s21, $0xb8;
	[tilespmem:$0x1C400] =	vst v63  }
0xca: {  	s30 =	rddreg [dreg:$0x10]  }
0xcb: {  	[tilespmem:s19], [sflag:$0x3] =	stream.indirect.gather [hbm4b:s5+s21], $0x80, s30, s21, $0xb8;
	[tilespmem:$0x1C400] =	vst v63  }
0xcc: {  	s31 =	rddreg [dreg:$0x11]  }
0xcd: {  	[tilespmem:s17], [sflag:$0x4] =	stream.indirect.gather [hbm4b:s5+s21], $0x80, s31, s21, $0xb8;
	[tilespmem:$0x1C400] =	vst v63  }
0xce: {  	_ = 	snop  }
0xcf: {  	[tilespmem:s15], [sflag:$0x5] =	stream.indirect.gather [hbm4b:s3+s21], $0x80, s25, s21, $0xb8;
	[tilespmem:$0x1C400] =	vst v63  }
0xd0: {  	s30 =	rddreg [dreg:$0x12]  }
0xd1: {  	[tilespmem:s13], [sflag:$0x6] =	stream.indirect.gather [hbm4b:s3+s21], $0x80, s30, s21, $0xb8;
	[tilespmem:$0x1C400] =	vst v63  }
0xd2: {  	s31 =	rddreg [dreg:$0x13]  }
0xd3: {  	[tilespmem:s11], [sflag:$0x7] =	stream.indirect.gather [hbm4b:s3+s21], $0x80, s31, s21, $0xb8;
	[tilespmem:$0x1C400] =	vst v63  }
0xd4: {  	_ =	swait.ge [sflag:s8], $0x4000  }
0xd5: {  	[sflag:s8] =	ssyncset.done $0x0  }
0xd6: {  	s5 =	rddreg [dreg:$0x8];
	[sflag:s8] =	ssyncadd.s32 $0xFFFFC000  }
0xd7: {  	[hbm4b:s5+s2] =	stream.linear.scatter [tilespmem:s6], [sflag:$0x8], $0x4000, $0x38;
	[tilespmem:$0x1C400] =	vst v63  }
0xd8: {  	_ =	swait.ge [sflag:s4], $0x4000  }
0xd9: {  	[sflag:s4] =	ssyncset.done $0x0  }
0xda: {  	[sflag:s4] =	ssyncadd.s32 $0xFFFFC000  }
0xdb: {  	[tilespmem:s6], [sflag:$0x1] =	stream.indirect.gather [hbm4b:s3+s21], $0x80, s29, s21, $0xb8;
	[tilespmem:$0x1C400] =	vst v63  }
0xdc: {  	_ =	swait.ge [sflag:s28], $0x4000  }
0xdd: {  	[sflag:s28] =	ssyncset.done $0x0  }
0xde: {  	s21 =	rddreg [dreg:$0x9];
	[sflag:s28] =	ssyncadd.s32 $0xFFFFC000  }
0xdf: {  	[hbm4b:s21+s2] =	stream.linear.scatter [tilespmem:s22], [sflag:$0x9], $0x4000, $0x38;
	[tilespmem:$0x1C400] =	vst v63  }
0xe0: {  	_ =	swait.ge [sflag:s26], $0x4000  }
0xe1: {  	[sflag:s26] =	ssyncset.done $0x0  }
0xe2: {  	s22 =	rddreg [dreg:$0xa];
	[sflag:s26] =	ssyncadd.s32 $0xFFFFC000  }
0xe3: {  	[hbm4b:s22+s2] =	stream.linear.scatter [tilespmem:s19], [sflag:$0xA], $0x4000, $0x38;
	[tilespmem:$0x1C400] =	vst v63  }
0xe4: {  	_ =	swait.ge [sflag:s24], $0x4000  }
0xe5: {  	[sflag:s24] =	ssyncset.done $0x0  }
0xe6: {  	s25 =	rddreg [dreg:$0xb];
	[sflag:s24] =	ssyncadd.s32 $0xFFFFC000  }
0xe7: {  	[hbm4b:s25+s2] =	stream.linear.scatter [tilespmem:s17], [sflag:$0xB], $0x4000, $0x38;
	[tilespmem:$0x1C400] =	vst v63  }
0xe8: {  	_ =	swait.ge [sflag:s23], $0x4000  }
0xe9: {  	[sflag:s23] =	ssyncset.done $0x0  }
0xea: {  	s26 =	rddreg [dreg:$0xc];
	[sflag:s23] =	ssyncadd.s32 $0xFFFFC000  }
0xeb: {  	[hbm4b:s26+s2] =	stream.linear.scatter [tilespmem:s15], [sflag:$0xC], $0x4000, $0x38;
	[tilespmem:$0x1C400] =	vst v63  }
0xec: {  	_ =	swait.ge [sflag:s20], $0x4000  }
0xed: {  	[sflag:s20] =	ssyncset.done $0x0  }
0xee: {  	s28 =	rddreg [dreg:$0xd];
	[sflag:s20] =	ssyncadd.s32 $0xFFFFC000  }
0xef: {  	[hbm4b:s28+s2] =	stream.linear.scatter [tilespmem:s13], [sflag:$0xD], $0x4000, $0x38;
	[tilespmem:$0x1C400] =	vst v63  }
0xf0: {  	_ =	swait.ge [sflag:s18], $0x4000  }
0xf1: {  	[sflag:s18] =	ssyncset.done $0x0  }
0xf2: {  	s29 =	rddreg [dreg:$0xe];
	[sflag:s18] =	ssyncadd.s32 $0xFFFFC000  }
0xf3: {  	[hbm4b:s29+s2] =	stream.linear.scatter [tilespmem:s11], [sflag:$0xE], $0x4000, $0x38;
	[tilespmem:$0x1C400] =	vst v63  }
0xf4: {  	_ =	swait.ge [sflag:s8], $0x4000  }
0xf5: {  	[sflag:s8] =	ssyncset.done $0x0  }
0xf6: {  	s30 =	rddreg [dreg:$0xf];
	[sflag:s8] =	ssyncadd.s32 $0xFFFFC000  }
0xf7: {  	[hbm4b:s30+s2] =	stream.linear.scatter [tilespmem:s6], [sflag:$0x8], $0x4000, $0x38;
	[tilespmem:$0x1C400] =	vst v63  }
0xf8: {  	_ =	swait.ge [sflag:s16], $0x4000  }
0xf9: {  	[sflag:s16] =	ssyncset.done $0x0  }
0xfa: {  	[sflag:s16] =	ssyncadd.s32 $0xFFFFC000  }
0xfb: {  	_ =	swait.ge [sflag:s14], $0x4000  }
0xfc: {  	[sflag:s14] =	ssyncset.done $0x0  }
0xfd: {  	[sflag:s14] =	ssyncadd.s32 $0xFFFFC000  }
0xfe: {  	_ =	swait.ge [sflag:s12], $0x4000  }
0xff: {  	[sflag:s12] =	ssyncset.done $0x0  }
0x100: {  	[sflag:s12] =	ssyncadd.s32 $0xFFFFC000  }
0x101: {  	_ =	swait.ge [sflag:s10], $0x4000  }
0x102: {  	[sflag:s10] =	ssyncset.done $0x0  }
0x103: {  	[sflag:s10] =	ssyncadd.s32 $0xFFFFC000  }
0x104: {  	_ =	swait.ge [sflag:s9], $0x4000  }
0x105: {  	[sflag:s9] =	ssyncset.done $0x0  }
0x106: {  	[sflag:s9] =	ssyncadd.s32 $0xFFFFC000  }
0x107: {  	_ =	swait.ge [sflag:s7], $0x4000  }
0x108: {  	[sflag:s7] =	ssyncset.done $0x0  }
0x109: {  	[sflag:s7] =	ssyncadd.s32 $0xFFFFC000  }
0x10a: {  	_ =	swait.ge [sflag:s4], $0x4000  }
0x10b: {  	[sflag:s4] =	ssyncset.done $0x0  }
0x10c: {  	[sflag:s4] =	ssyncadd.s32 $0xFFFFC000  }
0x10d: {  	_ =	sfence.sel $0x180000  }
0x10e: {  	[bflag:$0x0] =	sbarrier.arrive $0xFFFF  }
0x10f: {  	_ =	strace $0x90000047  }
0x110: {  	s31 =	stileid.u32;
	[bflag:$0x2] =	sbarrier.arrive $0xFFFF  }
0x111: {  	p0 =	sne.s32 s31, $0x0;
	s0 =	rddreg [dreg:$0x5]  }
0x112: {  	s0 =	sadd.s32 @!p0 $0x100000, s0  }
0x113: {  	[sflag:s0] =	ssyncadd.tile.s32 @!p0 $0x1;
	_ =	shalt  }
.LBB2_1:
.Ltmp3:
0x114: {  	(pc) =	sbr.rel .LBB2_6-.Ltmp3, $2  }
0x115: {  	_ =	sdelay $0x2  }
0x116: {  	s29 =	simm.s32 $0x380  }
.LBB2_3:
.Ltmp4:
0x117: {  	(pc) =	sbr.rel .LBB2_6-.Ltmp4, $2  }
0x118: {  	_ =	sdelay $0x2  }
0x119: {  	s29 =	simm.s32 $0x380  }
.Lfunc_end2:
_tile_overlayer_lowered:
.L_overlay_start_2:
0x11a: {  	(tag) =	ssettag $0x2  }
0x11b: {  	s0 =	rddreg [dreg:$0x0];
	s2 =	stileid.u32  }
0x11c: {  	s1 =	rddreg [dreg:$0x1];
	p0 =	sne.s32 s2, $0x0  }
0x11d: {  	s3 =	rddreg [dreg:$0x2];
	[bflag:$0x3] =	sbarrier.arrive $0xFFFF;
	s2 =	simm.s32 @!p0 $0x1C11  }
0x11e: {  	[timem:s3], [sflag:s2] =	dma.local @!p0 [hbm:s0], s1  }
0x11f: {  	s0 =	simm.s32 @!p0 $0x11  }
0x120: {  	_ =	swait.ge @!p0 [sflag:s0], s1  }
0x121: {  	s1 =	ssub.s32 @!p0 $0x0, s1;
	[sflag:s0] =	ssyncset.done @!p0 $0x0  }
0x122: {  	[sflag:s0] =	ssyncadd.s32 @!p0 s1  }
0x123: {  	[bflag:$0x3] =	sbarrier.arrive $0xFFFF  }
0x124: {  	_ =	shalt  }

</sc_bundles>
